<compile_context>
chip_gen: v7x
topology: tpu7x:2x2x1
jax: 0.10.2.dev20260603
libtpu: 0.0.44.dev20260713+nightly
codegen_flags: <defaults>
</compile_context>

<pallas_src>
import functools
import jax
import jax.numpy as jnp
from jax import lax
from jax.experimental import pallas as pl
from jax.experimental.pallas import tpu as pltpu
from jax.experimental.pallas import tpu_sc as plsc

EMBED = 64
SCALE = 8.0
CHUNK = 128
NBUF = 5
AHEAD = 3


def _sc_embed(idx3, table2):
    nw, n_chunks, _ = idx3.shape
    b_per_w = n_chunks * CHUNK
    B = nw * b_per_w

    mesh = plsc.VectorSubcoreMesh(core_axis_name="c", subcore_axis_name="s")
    info = plsc.get_sparse_core_info()
    nc = info.num_cores

    @functools.partial(
        pl.kernel,
        out_type=jax.ShapeDtypeStruct((B, 2 * EMBED), jnp.float32),
        mesh=mesh,
        compiler_params=pltpu.CompilerParams(use_tc_tiling_on_sc=False),
        scratch_types=[
            pltpu.VMEM((n_chunks, CHUNK), jnp.int32),
            pltpu.VMEM((n_chunks, CHUNK), jnp.int32),
            [pltpu.VMEM((CHUNK, EMBED), jnp.float32) for _ in range(NBUF)],
            [pltpu.SemaphoreType.DMA for _ in range(NBUF)],
            [pltpu.SemaphoreType.DMA for _ in range(NBUF)],
        ],
    )
    def k(idx_hbm, table_hbm, out_hbm, idx_v, idx2_v, bufs, gsems, wsems):
        wid = lax.axis_index("s") * nc + lax.axis_index("c")
        base = wid * b_per_w
        pltpu.sync_copy(idx_hbm.at[wid], idx_v)

        @plsc.parallel_loop(0, n_chunks, unroll=2)
        def _(c):
            for j in range(CHUNK // 16):
                sl = pl.ds(16 * j, 16)
                idx2_v[c, sl] = lax.shift_left(idx_v[c, sl], 1)

        def start_gather(i, slot):
            pltpu.async_copy(
                table_hbm.at[idx2_v.at[i]], bufs[slot], gsems[slot])

        def wait_gather(slot):
            pltpu.make_async_copy(
                table_hbm.at[idx2_v.at[0]], bufs[slot], gsems[slot]).wait()

        def start_write(i, slot):
            pltpu.async_copy(
                bufs[slot],
                out_hbm.at[pl.ds(base + i * CHUNK, CHUNK), pl.ds(0, EMBED)],
                wsems[slot])

        def wait_write(slot):
            pltpu.make_async_copy(
                bufs[slot],
                out_hbm.at[pl.ds(base, CHUNK), pl.ds(0, EMBED)],
                wsems[slot]).wait()

        def select_scale(i, slot):
            buf = bufs[slot]

            @plsc.parallel_loop(0, CHUNK, unroll=4)
            def _(r):
                for j in range(EMBED // 16):
                    sl = pl.ds(16 * j, 16)
                    buf[r, sl] = buf[r, sl] * SCALE

        for j in range(AHEAD):
            start_gather(j, j)

        def group(p, _):
            for b in range(NBUF):
                i = p * NBUF + b
                nslot = (b + AHEAD) % NBUF

                @pl.when(i + AHEAD < n_chunks)
                def _():
                    @pl.when(i >= NBUF - AHEAD)
                    def _():
                        wait_write(nslot)

                    start_gather(i + AHEAD, nslot)

                wait_gather(b)
                select_scale(i, b)
                start_write(i, b)
            return _

        lax.fori_loop(0, n_chunks // NBUF, group, None)
        for b in range(NBUF):
            wait_write(b)

    return k(idx3, table2)


def kernel(inputs, table):
    nb, nt = inputs.shape
    B = nb * nt
    voc, _ = table.shape
    info = plsc.get_sparse_core_info()
    nw = info.num_cores * info.num_subcores
    n_chunks = B // (nw * CHUNK)
    idx3 = inputs.reshape(nw, n_chunks, CHUNK)
    table2 = jnp.pad(table, ((0, 0), (0, EMBED))).reshape(2 * voc, EMBED)
    out = _sc_embed(idx3, table2)
    return out.reshape(nb, nt, 2 * EMBED)[:, :, :EMBED]

# --- scband reference (transcript-rebuilt; emitter-appended) ---
"""Pipeline reference for scband-embedding-38646115729779 (READ-ONLY COPY).

The authoritative reference and input builder live on the scoring server;
editing this copy changes nothing except your own understanding.
"""

import math
import jax, jax.numpy as jnp
import numpy as np

VOCAB = 1000000
EMBED_DIM = 64
PAD_IDX = 0

def setup_inputs(seed: int = 0) -> dict:
    key = jax.random.key(seed)
    k1, k2 = jax.random.split(key)
    inputs = jax.random.randint(k1, (4096, 200), 0, VOCAB, dtype=jnp.int32)
    table = jax.random.normal(k2, (VOCAB, EMBED_DIM), dtype=jnp.float32) * 0.02
    # torch nn.Embedding zeros the padding_idx row at init
    table = table.at[PAD_IDX].set(0.0)
    return {"inputs": inputs, "table": table}

def reference(inputs, table):
    # Embedding lookup (gather) scaled by sqrt(embed_dim).
    # Dropout is identity in eval mode (deterministic reference).
    out = jnp.take(table, inputs, axis=0) * math.sqrt(EMBED_DIM)
    return out

if __name__ == "__main__":
    import jax
    _d = setup_inputs()
    print(jax.jit(kernel)(*tuple(_d.values())))

</pallas_src>

<mosaic_0001>
#map = affine_map<(d0, d1) -> (0, 0, 0)>
#map1 = affine_map<(d0, d1) -> (0, 0)>
module attributes {stable_mosaic.version = 14 : i64} {
  func.func @k(%arg0: i32, %arg1: i32, %arg2: memref<32x200x128xi32, #tpu.memory_space<hbm>>, %arg3: memref<2000000x64xf32, #tpu.memory_space<hbm>>, %arg4: memref<819200x128xf32, #tpu.memory_space<hbm>>, %arg5: memref<200x128xi32, #tpu.memory_space<vmem>>, %arg6: memref<200x128xi32, #tpu.memory_space<vmem>>, %arg7: memref<128x64xf32, #tpu.memory_space<vmem>>, %arg8: memref<128x64xf32, #tpu.memory_space<vmem>>, %arg9: memref<128x64xf32, #tpu.memory_space<vmem>>, %arg10: memref<128x64xf32, #tpu.memory_space<vmem>>, %arg11: memref<128x64xf32, #tpu.memory_space<vmem>>, %arg12: memref<!tpu.dma_semaphore, #tpu.memory_space<semaphore_mem>>, %arg13: memref<!tpu.dma_semaphore, #tpu.memory_space<semaphore_mem>>, %arg14: memref<!tpu.dma_semaphore, #tpu.memory_space<semaphore_mem>>, %arg15: memref<!tpu.dma_semaphore, #tpu.memory_space<semaphore_mem>>, %arg16: memref<!tpu.dma_semaphore, #tpu.memory_space<semaphore_mem>>, %arg17: memref<!tpu.dma_semaphore, #tpu.memory_space<semaphore_mem>>, %arg18: memref<!tpu.dma_semaphore, #tpu.memory_space<semaphore_mem>>, %arg19: memref<!tpu.dma_semaphore, #tpu.memory_space<semaphore_mem>>, %arg20: memref<!tpu.dma_semaphore, #tpu.memory_space<semaphore_mem>>, %arg21: memref<!tpu.dma_semaphore, #tpu.memory_space<semaphore_mem>>) attributes {dimension_semantics = [#tpu.dimension_semantics<core_parallel>, #tpu.dimension_semantics<subcore_parallel>], iteration_bounds = array<i64: 2, 16>, scalar_prefetch = 0 : i64, scratch_operands = 17 : i64, tpu.core_type = #tpu.core_type<sc_vector_subcore>, window_params = [{transform_indices = #map}, {transform_indices = #map1}, {transform_indices = #map1}]} {
    %mul3A = arith.constant 2 : i32
    %mul3A_0 = arith.muli %arg1, %mul3A : i32
    %add3A = arith.addi %mul3A_0, %arg0 : i32
    %mul3A_1 = arith.constant 25600 : i32
    %mul3A_2 = arith.muli %add3A, %mul3A_1 : i32
    "tpu.region"() ({
      %run_scoped3A = tpu.sem_alloc : memref<!tpu.dma_semaphore, #tpu.memory_space<semaphore_mem>>
      %dma_start3A_48 = arith.constant 0 : i32
      %dma_start3A_49 = arith.constant 0 : i32
      %dma_start3A_50 = tpu.memref_slice %arg2[%add3A, %dma_start3A_48, %dma_start3A_49] : memref<32x200x128xi32, #tpu.memory_space<hbm>> -> memref<1x200x128xi32, #tpu.memory_space<hbm>>
      %dma_start3A_51 = tpu.memref_squeeze %dma_start3A_50 : memref<1x200x128xi32, #tpu.memory_space<hbm>> -> memref<200x128xi32, #tpu.memory_space<hbm>>
      %dma_start3A_52 = arith.constant 0 : i32
      %dma_start3A_53 = arith.constant 0 : i32
      %dma_start3A_54 = tpu.memref_slice %arg2[%add3A, %dma_start3A_52, %dma_start3A_53] : memref<32x200x128xi32, #tpu.memory_space<hbm>> -> memref<1x200x128xi32, #tpu.memory_space<hbm>>
      %dma_start3A_55 = tpu.memref_squeeze %dma_start3A_54 : memref<1x200x128xi32, #tpu.memory_space<hbm>> -> memref<200x128xi32, #tpu.memory_space<hbm>>
      tpu.enqueue_dma source(%dma_start3A_55 : memref<200x128xi32, #tpu.memory_space<hbm>>) target(%arg5 : memref<200x128xi32, #tpu.memory_space<vmem>>) target_semaphore(%run_scoped3A : memref<!tpu.dma_semaphore, #tpu.memory_space<semaphore_mem>>)
      %dma_wait3A_56 = arith.constant 0 : i32
      %dma_wait3A_57 = arith.constant 0 : i32
      %dma_wait3A_58 = tpu.memref_slice %arg2[%add3A, %dma_wait3A_56, %dma_wait3A_57] : memref<32x200x128xi32, #tpu.memory_space<hbm>> -> memref<1x200x128xi32, #tpu.memory_space<hbm>>
      %dma_wait3A_59 = tpu.memref_squeeze %dma_wait3A_58 : memref<1x200x128xi32, #tpu.memory_space<hbm>> -> memref<200x128xi32, #tpu.memory_space<hbm>>
      %dma_wait3A_60 = arith.constant 0 : i32
      %dma_wait3A_61 = arith.constant 0 : i32
      %dma_wait3A_62 = tpu.memref_slice %arg2[%add3A, %dma_wait3A_60, %dma_wait3A_61] : memref<32x200x128xi32, #tpu.memory_space<hbm>> -> memref<1x200x128xi32, #tpu.memory_space<hbm>>
      %dma_wait3A_63 = tpu.memref_squeeze %dma_wait3A_62 : memref<1x200x128xi32, #tpu.memory_space<hbm>> -> memref<200x128xi32, #tpu.memory_space<hbm>>
      tpu.wait_dma2 semaphore(%run_scoped3A : memref<!tpu.dma_semaphore, #tpu.memory_space<semaphore_mem>>) src(%dma_wait3A_63 : memref<200x128xi32, #tpu.memory_space<hbm>>) dst(%arg5 : memref<200x128xi32, #tpu.memory_space<vmem>>)
      tpu.yield
    }) : () -> ()
    %parallel_loop3A = arith.constant 0 : i32
    %parallel_loop3A_3 = arith.constant 200 : i32
    %parallel_loop3A_4 = arith.constant 1 : i32
    scf.for %parallel_loop3A_48 = %parallel_loop3A to %parallel_loop3A_3 step %parallel_loop3A_4  : i32 {
      %parallel_loop3A_49 = arith.index_cast %parallel_loop3A_48 : i32 to index
      %parallel_loop3A_50 = arith.constant 0 : index
      %parallel_loop3A_51 = tpu.vector_load %arg5[%parallel_loop3A_49, %parallel_loop3A_50] {strides = array<i32>} : memref<200x128xi32, #tpu.memory_space<vmem>>, vector<1x16xi32>,
      %parallel_loop3A_52 = vector.shape_cast %parallel_loop3A_51 : vector<1x16xi32> to vector<16xi32>
      %parallel_loop3A_53 = arith.constant 1 : i32
      %parallel_loop3A_54 = vector.broadcast %parallel_loop3A_53 : i32 to vector<16xi32>
      %parallel_loop3A_55 = arith.shli %parallel_loop3A_52, %parallel_loop3A_54 : vector<16xi32>
      %parallel_loop3A_56 = arith.index_cast %parallel_loop3A_48 : i32 to index
      %parallel_loop3A_57 = arith.constant 0 : index
      %parallel_loop3A_58 = tpu.vector_load %arg6[%parallel_loop3A_56, %parallel_loop3A_57] {strides = array<i32>} : memref<200x128xi32, #tpu.memory_space<vmem>>, vector<1x16xi32>,
      %parallel_loop3A_59 = vector.shape_cast %parallel_loop3A_58 : vector<1x16xi32> to vector<16xi32>
      %parallel_loop3A_60 = vector.shape_cast %parallel_loop3A_55 : vector<16xi32> to vector<1x16xi32>
      tpu.vector_store %arg6[%parallel_loop3A_56, %parallel_loop3A_57], %parallel_loop3A_60 {strides = array<i32>} : memref<200x128xi32, #tpu.memory_space<vmem>>, vector<1x16xi32>,
      %parallel_loop3A_61 = arith.index_cast %parallel_loop3A_48 : i32 to index
      %parallel_loop3A_62 = arith.constant 16 : index
      %parallel_loop3A_63 = tpu.vector_load %arg5[%parallel_loop3A_61, %parallel_loop3A_62] {strides = array<i32>} : memref<200x128xi32, #tpu.memory_space<vmem>>, vector<1x16xi32>,
      %parallel_loop3A_64 = vector.shape_cast %parallel_loop3A_63 : vector<1x16xi32> to vector<16xi32>
      %parallel_loop3A_65 = arith.constant 1 : i32
      %parallel_loop3A_66 = vector.broadcast %parallel_loop3A_65 : i32 to vector<16xi32>
      %parallel_loop3A_67 = arith.shli %parallel_loop3A_64, %parallel_loop3A_66 : vector<16xi32>
      %parallel_loop3A_68 = arith.index_cast %parallel_loop3A_48 : i32 to index
      %parallel_loop3A_69 = arith.constant 16 : index
      %parallel_loop3A_70 = tpu.vector_load %arg6[%parallel_loop3A_68, %parallel_loop3A_69] {strides = array<i32>} : memref<200x128xi32, #tpu.memory_space<vmem>>, vector<1x16xi32>,
      %parallel_loop3A_71 = vector.shape_cast %parallel_loop3A_70 : vector<1x16xi32> to vector<16xi32>
      %parallel_loop3A_72 = vector.shape_cast %parallel_loop3A_67 : vector<16xi32> to vector<1x16xi32>
      tpu.vector_store %arg6[%parallel_loop3A_68, %parallel_loop3A_69], %parallel_loop3A_72 {strides = array<i32>} : memref<200x128xi32, #tpu.memory_space<vmem>>, vector<1x16xi32>,
      %parallel_loop3A_73 = arith.index_cast %parallel_loop3A_48 : i32 to index
      %parallel_loop3A_74 = arith.constant 32 : index
      %parallel_loop3A_75 = tpu.vector_load %arg5[%parallel_loop3A_73, %parallel_loop3A_74] {strides = array<i32>} : memref<200x128xi32, #tpu.memory_space<vmem>>, vector<1x16xi32>,
      %parallel_loop3A_76 = vector.shape_cast %parallel_loop3A_75 : vector<1x16xi32> to vector<16xi32>
      %parallel_loop3A_77 = arith.constant 1 : i32
      %parallel_loop3A_78 = vector.broadcast %parallel_loop3A_77 : i32 to vector<16xi32>
      %parallel_loop3A_79 = arith.shli %parallel_loop3A_76, %parallel_loop3A_78 : vector<16xi32>
      %parallel_loop3A_80 = arith.index_cast %parallel_loop3A_48 : i32 to index
      %parallel_loop3A_81 = arith.constant 32 : index
      %parallel_loop3A_82 = tpu.vector_load %arg6[%parallel_loop3A_80, %parallel_loop3A_81] {strides = array<i32>} : memref<200x128xi32, #tpu.memory_space<vmem>>, vector<1x16xi32>,
      %parallel_loop3A_83 = vector.shape_cast %parallel_loop3A_82 : vector<1x16xi32> to vector<16xi32>
      %parallel_loop3A_84 = vector.shape_cast %parallel_loop3A_79 : vector<16xi32> to vector<1x16xi32>
      tpu.vector_store %arg6[%parallel_loop3A_80, %parallel_loop3A_81], %parallel_loop3A_84 {strides = array<i32>} : memref<200x128xi32, #tpu.memory_space<vmem>>, vector<1x16xi32>,
      %parallel_loop3A_85 = arith.index_cast %parallel_loop3A_48 : i32 to index
      %parallel_loop3A_86 = arith.constant 48 : index
      %parallel_loop3A_87 = tpu.vector_load %arg5[%parallel_loop3A_85, %parallel_loop3A_86] {strides = array<i32>} : memref<200x128xi32, #tpu.memory_space<vmem>>, vector<1x16xi32>,
      %parallel_loop3A_88 = vector.shape_cast %parallel_loop3A_87 : vector<1x16xi32> to vector<16xi32>
      %parallel_loop3A_89 = arith.constant 1 : i32
      %parallel_loop3A_90 = vector.broadcast %parallel_loop3A_89 : i32 to vector<16xi32>
      %parallel_loop3A_91 = arith.shli %parallel_loop3A_88, %parallel_loop3A_90 : vector<16xi32>
      %parallel_loop3A_92 = arith.index_cast %parallel_loop3A_48 : i32 to index
      %parallel_loop3A_93 = arith.constant 48 : index
      %parallel_loop3A_94 = tpu.vector_load %arg6[%parallel_loop3A_92, %parallel_loop3A_93] {strides = array<i32>} : memref<200x128xi32, #tpu.memory_space<vmem>>, vector<1x16xi32>,
      %parallel_loop3A_95 = vector.shape_cast %parallel_loop3A_94 : vector<1x16xi32> to vector<16xi32>
      %parallel_loop3A_96 = vector.shape_cast %parallel_loop3A_91 : vector<16xi32> to vector<1x16xi32>
      tpu.vector_store %arg6[%parallel_loop3A_92, %parallel_loop3A_93], %parallel_loop3A_96 {strides = array<i32>} : memref<200x128xi32, #tpu.memory_space<vmem>>, vector<1x16xi32>,
      %parallel_loop3A_97 = arith.index_cast %parallel_loop3A_48 : i32 to index
      %parallel_loop3A_98 = arith.constant 64 : index
      %parallel_loop3A_99 = tpu.vector_load %arg5[%parallel_loop3A_97, %parallel_loop3A_98] {strides = array<i32>} : memref<200x128xi32, #tpu.memory_space<vmem>>, vector<1x16xi32>,
      %parallel_loop3A_100 = vector.shape_cast %parallel_loop3A_99 : vector<1x16xi32> to vector<16xi32>
      %parallel_loop3A_101 = arith.constant 1 : i32
      %parallel_loop3A_102 = vector.broadcast %parallel_loop3A_101 : i32 to vector<16xi32>
      %parallel_loop3A_103 = arith.shli %parallel_loop3A_100, %parallel_loop3A_102 : vector<16xi32>
      %parallel_loop3A_104 = arith.index_cast %parallel_loop3A_48 : i32 to index
      %parallel_loop3A_105 = arith.constant 64 : index
      %parallel_loop3A_106 = tpu.vector_load %arg6[%parallel_loop3A_104, %parallel_loop3A_105] {strides = array<i32>} : memref<200x128xi32, #tpu.memory_space<vmem>>, vector<1x16xi32>,
      %parallel_loop3A_107 = vector.shape_cast %parallel_loop3A_106 : vector<1x16xi32> to vector<16xi32>
      %parallel_loop3A_108 = vector.shape_cast %parallel_loop3A_103 : vector<16xi32> to vector<1x16xi32>
      tpu.vector_store %arg6[%parallel_loop3A_104, %parallel_loop3A_105], %parallel_loop3A_108 {strides = array<i32>} : memref<200x128xi32, #tpu.memory_space<vmem>>, vector<1x16xi32>,
      %parallel_loop3A_109 = arith.index_cast %parallel_loop3A_48 : i32 to index
      %parallel_loop3A_110 = arith.constant 80 : index
      %parallel_loop3A_111 = tpu.vector_load %arg5[%parallel_loop3A_109, %parallel_loop3A_110] {strides = array<i32>} : memref<200x128xi32, #tpu.memory_space<vmem>>, vector<1x16xi32>,
      %parallel_loop3A_112 = vector.shape_cast %parallel_loop3A_111 : vector<1x16xi32> to vector<16xi32>
      %parallel_loop3A_113 = arith.constant 1 : i32
      %parallel_loop3A_114 = vector.broadcast %parallel_loop3A_113 : i32 to vector<16xi32>
      %parallel_loop3A_115 = arith.shli %parallel_loop3A_112, %parallel_loop3A_114 : vector<16xi32>
      %parallel_loop3A_116 = arith.index_cast %parallel_loop3A_48 : i32 to index
      %parallel_loop3A_117 = arith.constant 80 : index
      %parallel_loop3A_118 = tpu.vector_load %arg6[%parallel_loop3A_116, %parallel_loop3A_117] {strides = array<i32>} : memref<200x128xi32, #tpu.memory_space<vmem>>, vector<1x16xi32>,
      %parallel_loop3A_119 = vector.shape_cast %parallel_loop3A_118 : vector<1x16xi32> to vector<16xi32>
      %parallel_loop3A_120 = vector.shape_cast %parallel_loop3A_115 : vector<16xi32> to vector<1x16xi32>
      tpu.vector_store %arg6[%parallel_loop3A_116, %parallel_loop3A_117], %parallel_loop3A_120 {strides = array<i32>} : memref<200x128xi32, #tpu.memory_space<vmem>>, vector<1x16xi32>,
      %parallel_loop3A_121 = arith.index_cast %parallel_loop3A_48 : i32 to index
      %parallel_loop3A_122 = arith.constant 96 : index
      %parallel_loop3A_123 = tpu.vector_load %arg5[%parallel_loop3A_121, %parallel_loop3A_122] {strides = array<i32>} : memref<200x128xi32, #tpu.memory_space<vmem>>, vector<1x16xi32>,
      %parallel_loop3A_124 = vector.shape_cast %parallel_loop3A_123 : vector<1x16xi32> to vector<16xi32>
      %parallel_loop3A_125 = arith.constant 1 : i32
      %parallel_loop3A_126 = vector.broadcast %parallel_loop3A_125 : i32 to vector<16xi32>
      %parallel_loop3A_127 = arith.shli %parallel_loop3A_124, %parallel_loop3A_126 : vector<16xi32>
      %parallel_loop3A_128 = arith.index_cast %parallel_loop3A_48 : i32 to index
      %parallel_loop3A_129 = arith.constant 96 : index
      %parallel_loop3A_130 = tpu.vector_load %arg6[%parallel_loop3A_128, %parallel_loop3A_129] {strides = array<i32>} : memref<200x128xi32, #tpu.memory_space<vmem>>, vector<1x16xi32>,
      %parallel_loop3A_131 = vector.shape_cast %parallel_loop3A_130 : vector<1x16xi32> to vector<16xi32>
      %parallel_loop3A_132 = vector.shape_cast %parallel_loop3A_127 : vector<16xi32> to vector<1x16xi32>
      tpu.vector_store %arg6[%parallel_loop3A_128, %parallel_loop3A_129], %parallel_loop3A_132 {strides = array<i32>} : memref<200x128xi32, #tpu.memory_space<vmem>>, vector<1x16xi32>,
      %parallel_loop3A_133 = arith.index_cast %parallel_loop3A_48 : i32 to index
      %parallel_loop3A_134 = arith.constant 112 : index
      %parallel_loop3A_135 = tpu.vector_load %arg5[%parallel_loop3A_133, %parallel_loop3A_134] {strides = array<i32>} : memref<200x128xi32, #tpu.memory_space<vmem>>, vector<1x16xi32>,
      %parallel_loop3A_136 = vector.shape_cast %parallel_loop3A_135 : vector<1x16xi32> to vector<16xi32>
      %parallel_loop3A_137 = arith.constant 1 : i32
      %parallel_loop3A_138 = vector.broadcast %parallel_loop3A_137 : i32 to vector<16xi32>
      %parallel_loop3A_139 = arith.shli %parallel_loop3A_136, %parallel_loop3A_138 : vector<16xi32>
      %parallel_loop3A_140 = arith.index_cast %parallel_loop3A_48 : i32 to index
      %parallel_loop3A_141 = arith.constant 112 : index
      %parallel_loop3A_142 = tpu.vector_load %arg6[%parallel_loop3A_140, %parallel_loop3A_141] {strides = array<i32>} : memref<200x128xi32, #tpu.memory_space<vmem>>, vector<1x16xi32>,
      %parallel_loop3A_143 = vector.shape_cast %parallel_loop3A_142 : vector<1x16xi32> to vector<16xi32>
      %parallel_loop3A_144 = vector.shape_cast %parallel_loop3A_139 : vector<16xi32> to vector<1x16xi32>
      tpu.vector_store %arg6[%parallel_loop3A_140, %parallel_loop3A_141], %parallel_loop3A_144 {strides = array<i32>} : memref<200x128xi32, #tpu.memory_space<vmem>>, vector<1x16xi32>,
    } {sc.loop_unroll_factor = 2 : i64, sc.parallel_access}
    %dma_start3A = arith.constant 0 : i32
    %dma_start3A_5 = arith.constant 0 : i32
    %dma_start3A_6 = tpu.memref_slice %arg6[%dma_start3A, %dma_start3A_5] : memref<200x128xi32, #tpu.memory_space<vmem>> -> memref<1x128xi32, #tpu.memory_space<vmem>>
    %dma_start3A_7 = tpu.memref_squeeze %dma_start3A_6 : memref<1x128xi32, #tpu.memory_space<vmem>> -> memref<128xi32, #tpu.memory_space<vmem>>
    %dma_start3A_8 = arith.constant 0 : i32
    %dma_start3A_9 = arith.constant 0 : i32
    %dma_start3A_10 = tpu.memref_slice %arg3[%dma_start3A_8, %dma_start3A_9] : memref<2000000x64xf32, #tpu.memory_space<hbm>> -> memref<2000000x64xf32, #tpu.memory_space<hbm>>
    tpu.enqueue_indirect_dma source(%dma_start3A_10 : memref<2000000x64xf32, #tpu.memory_space<hbm>>) target(%arg7 : memref<128x64xf32, #tpu.memory_space<vmem>>) offsets(%dma_start3A_7 : memref<128xi32, #tpu.memory_space<vmem>>) semaphore(%arg12 : memref<!tpu.dma_semaphore, #tpu.memory_space<semaphore_mem>>)
    %dma_start3A_11 = arith.constant 1 : i32
    %dma_start3A_12 = arith.constant 0 : i32
    %dma_start3A_13 = tpu.memref_slice %arg6[%dma_start3A_11, %dma_start3A_12] : memref<200x128xi32, #tpu.memory_space<vmem>> -> memref<1x128xi32, #tpu.memory_space<vmem>>
    %dma_start3A_14 = tpu.memref_squeeze %dma_start3A_13 : memref<1x128xi32, #tpu.memory_space<vmem>> -> memref<128xi32, #tpu.memory_space<vmem>>
    %dma_start3A_15 = arith.constant 0 : i32
    %dma_start3A_16 = arith.constant 0 : i32
    %dma_start3A_17 = tpu.memref_slice %arg3[%dma_start3A_15, %dma_start3A_16] : memref<2000000x64xf32, #tpu.memory_space<hbm>> -> memref<2000000x64xf32, #tpu.memory_space<hbm>>
    tpu.enqueue_indirect_dma source(%dma_start3A_17 : memref<2000000x64xf32, #tpu.memory_space<hbm>>) target(%arg8 : memref<128x64xf32, #tpu.memory_space<vmem>>) offsets(%dma_start3A_14 : memref<128xi32, #tpu.memory_space<vmem>>) semaphore(%arg13 : memref<!tpu.dma_semaphore, #tpu.memory_space<semaphore_mem>>)
    %dma_start3A_18 = arith.constant 2 : i32
    %dma_start3A_19 = arith.constant 0 : i32
    %dma_start3A_20 = tpu.memref_slice %arg6[%dma_start3A_18, %dma_start3A_19] : memref<200x128xi32, #tpu.memory_space<vmem>> -> memref<1x128xi32, #tpu.memory_space<vmem>>
    %dma_start3A_21 = tpu.memref_squeeze %dma_start3A_20 : memref<1x128xi32, #tpu.memory_space<vmem>> -> memref<128xi32, #tpu.memory_space<vmem>>
    %dma_start3A_22 = arith.constant 0 : i32
    %dma_start3A_23 = arith.constant 0 : i32
    %dma_start3A_24 = tpu.memref_slice %arg3[%dma_start3A_22, %dma_start3A_23] : memref<2000000x64xf32, #tpu.memory_space<hbm>> -> memref<2000000x64xf32, #tpu.memory_space<hbm>>
    tpu.enqueue_indirect_dma source(%dma_start3A_24 : memref<2000000x64xf32, #tpu.memory_space<hbm>>) target(%arg9 : memref<128x64xf32, #tpu.memory_space<vmem>>) offsets(%dma_start3A_21 : memref<128xi32, #tpu.memory_space<vmem>>) semaphore(%arg14 : memref<!tpu.dma_semaphore, #tpu.memory_space<semaphore_mem>>)
    %scan3A = arith.constant 0 : i32
    %scan3A_25 = arith.constant 40 : i32
    %scan3A_26 = arith.addi %scan3A, %scan3A_25 : i32
    %scan3A_27 = arith.constant 1 : i32
    scf.for %scan3A_48 = %scan3A to %scan3A_26 step %scan3A_27  : i32 {
      %mul3A_49 = arith.constant 5 : i32
      %mul3A_50 = arith.muli %scan3A_48, %mul3A_49 : i32
      %add3A_51 = arith.constant 0 : i32
      %add3A_52 = arith.addi %mul3A_50, %add3A_51 : i32
      %add3A_53 = arith.constant 3 : i32
      %add3A_54 = arith.addi %add3A_52, %add3A_53 : i32
      %lt3A = arith.constant 200 : i32
      %lt3A_55 = arith.cmpi slt, %add3A_54, %lt3A : i32
      %convert_element_type3A = arith.extui %lt3A_55 : i1 to i32
      %cond3A = arith.constant 0 : i32
      %cond3A_56 = arith.cmpi ne, %convert_element_type3A, %cond3A : i32
      scf.if %cond3A_56 {
        %ge3A = arith.constant 2 : i32
        %ge3A_186 = arith.cmpi sge, %add3A_52, %ge3A : i32
        %convert_element_type3A_187 = arith.extui %ge3A_186 : i1 to i32
        %cond3A_188 = arith.constant 0 : i32
        %cond3A_189 = arith.cmpi ne, %convert_element_type3A_187, %cond3A_188 : i32
        scf.if %cond3A_189 {
          %dma_wait3A_198 = arith.constant 0 : i32
          %dma_wait3A_199 = tpu.memref_slice %arg4[%mul3A_2, %dma_wait3A_198] : memref<819200x128xf32, #tpu.memory_space<hbm>> -> memref<128x64xf32, #tpu.memory_space<hbm>>
          %dma_wait3A_200 = arith.constant 0 : i32
          %dma_wait3A_201 = tpu.memref_slice %arg4[%mul3A_2, %dma_wait3A_200] : memref<819200x128xf32, #tpu.memory_space<hbm>> -> memref<128x64xf32, #tpu.memory_space<hbm>>
          tpu.wait_dma2 semaphore(%arg20 : memref<!tpu.dma_semaphore, #tpu.memory_space<semaphore_mem>>) src(%arg10 : memref<128x64xf32, #tpu.memory_space<vmem>>) dst(%dma_wait3A_201 : memref<128x64xf32, #tpu.memory_space<hbm>>)
        } else {
        }
        %add3A_190 = arith.constant 3 : i32
        %add3A_191 = arith.addi %add3A_52, %add3A_190 : i32
        %dma_start3A_192 = arith.constant 0 : i32
        %dma_start3A_193 = tpu.memref_slice %arg6[%add3A_191, %dma_start3A_192] : memref<200x128xi32, #tpu.memory_space<vmem>> -> memref<1x128xi32, #tpu.memory_space<vmem>>
        %dma_start3A_194 = tpu.memref_squeeze %dma_start3A_193 : memref<1x128xi32, #tpu.memory_space<vmem>> -> memref<128xi32, #tpu.memory_space<vmem>>
        %dma_start3A_195 = arith.constant 0 : i32
        %dma_start3A_196 = arith.constant 0 : i32
        %dma_start3A_197 = tpu.memref_slice %arg3[%dma_start3A_195, %dma_start3A_196] : memref<2000000x64xf32, #tpu.memory_space<hbm>> -> memref<2000000x64xf32, #tpu.memory_space<hbm>>
        tpu.enqueue_indirect_dma source(%dma_start3A_197 : memref<2000000x64xf32, #tpu.memory_space<hbm>>) target(%arg10 : memref<128x64xf32, #tpu.memory_space<vmem>>) offsets(%dma_start3A_194 : memref<128xi32, #tpu.memory_space<vmem>>) semaphore(%arg15 : memref<!tpu.dma_semaphore, #tpu.memory_space<semaphore_mem>>)
      } else {
      }
      %dma_wait3A_57 = arith.constant 0 : i32
      %dma_wait3A_58 = arith.constant 0 : i32
      %dma_wait3A_59 = tpu.memref_slice %arg6[%dma_wait3A_57, %dma_wait3A_58] : memref<200x128xi32, #tpu.memory_space<vmem>> -> memref<1x128xi32, #tpu.memory_space<vmem>>
      %dma_wait3A_60 = tpu.memref_squeeze %dma_wait3A_59 : memref<1x128xi32, #tpu.memory_space<vmem>> -> memref<128xi32, #tpu.memory_space<vmem>>
      %dma_wait3A_61 = arith.constant 0 : i32
      %dma_wait3A_62 = arith.constant 0 : i32
      %dma_wait3A_63 = tpu.memref_slice %arg3[%dma_wait3A_61, %dma_wait3A_62] : memref<2000000x64xf32, #tpu.memory_space<hbm>> -> memref<2000000x64xf32, #tpu.memory_space<hbm>>
      tpu.wait_indirect_dma semaphore(%arg12 : memref<!tpu.dma_semaphore, #tpu.memory_space<semaphore_mem>>) src(%dma_wait3A_63 : memref<2000000x64xf32, #tpu.memory_space<hbm>>) dst(%arg7 : memref<128x64xf32, #tpu.memory_space<vmem>>)
      %parallel_loop3A_64 = arith.constant 0 : i32
      %parallel_loop3A_65 = arith.constant 128 : i32
      %parallel_loop3A_66 = arith.constant 1 : i32
      scf.for %parallel_loop3A_186 = %parallel_loop3A_64 to %parallel_loop3A_65 step %parallel_loop3A_66  : i32 {
        %parallel_loop3A_187 = arith.index_cast %parallel_loop3A_186 : i32 to index
        %parallel_loop3A_188 = arith.constant 0 : index
        %parallel_loop3A_189 = tpu.vector_load %arg7[%parallel_loop3A_187, %parallel_loop3A_188] {strides = array<i32>} : memref<128x64xf32, #tpu.memory_space<vmem>>, vector<1x16xf32>,
        %parallel_loop3A_190 = vector.shape_cast %parallel_loop3A_189 : vector<1x16xf32> to vector<16xf32>
        %parallel_loop3A_191 = arith.constant 8.000000e+00 : f32
        %parallel_loop3A_192 = vector.broadcast %parallel_loop3A_191 : f32 to vector<16xf32>
        %parallel_loop3A_193 = arith.mulf %parallel_loop3A_190, %parallel_loop3A_192 : vector<16xf32>
        %parallel_loop3A_194 = arith.index_cast %parallel_loop3A_186 : i32 to index
        %parallel_loop3A_195 = arith.constant 0 : index
        %parallel_loop3A_196 = tpu.vector_load %arg7[%parallel_loop3A_194, %parallel_loop3A_195] {strides = array<i32>} : memref<128x64xf32, #tpu.memory_space<vmem>>, vector<1x16xf32>,
        %parallel_loop3A_197 = vector.shape_cast %parallel_loop3A_196 : vector<1x16xf32> to vector<16xf32>
        %parallel_loop3A_198 = vector.shape_cast %parallel_loop3A_193 : vector<16xf32> to vector<1x16xf32>
        tpu.vector_store %arg7[%parallel_loop3A_194, %parallel_loop3A_195], %parallel_loop3A_198 {strides = array<i32>} : memref<128x64xf32, #tpu.memory_space<vmem>>, vector<1x16xf32>,
        %parallel_loop3A_199 = arith.index_cast %parallel_loop3A_186 : i32 to index
        %parallel_loop3A_200 = arith.constant 16 : index
        %parallel_loop3A_201 = tpu.vector_load %arg7[%parallel_loop3A_199, %parallel_loop3A_200] {strides = array<i32>} : memref<128x64xf32, #tpu.memory_space<vmem>>, vector<1x16xf32>,
        %parallel_loop3A_202 = vector.shape_cast %parallel_loop3A_201 : vector<1x16xf32> to vector<16xf32>
        %parallel_loop3A_203 = arith.constant 8.000000e+00 : f32
        %parallel_loop3A_204 = vector.broadcast %parallel_loop3A_203 : f32 to vector<16xf32>
        %parallel_loop3A_205 = arith.mulf %parallel_loop3A_202, %parallel_loop3A_204 : vector<16xf32>
        %parallel_loop3A_206 = arith.index_cast %parallel_loop3A_186 : i32 to index
        %parallel_loop3A_207 = arith.constant 16 : index
        %parallel_loop3A_208 = tpu.vector_load %arg7[%parallel_loop3A_206, %parallel_loop3A_207] {strides = array<i32>} : memref<128x64xf32, #tpu.memory_space<vmem>>, vector<1x16xf32>,
        %parallel_loop3A_209 = vector.shape_cast %parallel_loop3A_208 : vector<1x16xf32> to vector<16xf32>
        %parallel_loop3A_210 = vector.shape_cast %parallel_loop3A_205 : vector<16xf32> to vector<1x16xf32>
        tpu.vector_store %arg7[%parallel_loop3A_206, %parallel_loop3A_207], %parallel_loop3A_210 {strides = array<i32>} : memref<128x64xf32, #tpu.memory_space<vmem>>, vector<1x16xf32>,
        %parallel_loop3A_211 = arith.index_cast %parallel_loop3A_186 : i32 to index
        %parallel_loop3A_212 = arith.constant 32 : index
        %parallel_loop3A_213 = tpu.vector_load %arg7[%parallel_loop3A_211, %parallel_loop3A_212] {strides = array<i32>} : memref<128x64xf32, #tpu.memory_space<vmem>>, vector<1x16xf32>,
        %parallel_loop3A_214 = vector.shape_cast %parallel_loop3A_213 : vector<1x16xf32> to vector<16xf32>
        %parallel_loop3A_215 = arith.constant 8.000000e+00 : f32
        %parallel_loop3A_216 = vector.broadcast %parallel_loop3A_215 : f32 to vector<16xf32>
        %parallel_loop3A_217 = arith.mulf %parallel_loop3A_214, %parallel_loop3A_216 : vector<16xf32>
        %parallel_loop3A_218 = arith.index_cast %parallel_loop3A_186 : i32 to index
        %parallel_loop3A_219 = arith.constant 32 : index
        %parallel_loop3A_220 = tpu.vector_load %arg7[%parallel_loop3A_218, %parallel_loop3A_219] {strides = array<i32>} : memref<128x64xf32, #tpu.memory_space<vmem>>, vector<1x16xf32>,
        %parallel_loop3A_221 = vector.shape_cast %parallel_loop3A_220 : vector<1x16xf32> to vector<16xf32>
        %parallel_loop3A_222 = vector.shape_cast %parallel_loop3A_217 : vector<16xf32> to vector<1x16xf32>
        tpu.vector_store %arg7[%parallel_loop3A_218, %parallel_loop3A_219], %parallel_loop3A_222 {strides = array<i32>} : memref<128x64xf32, #tpu.memory_space<vmem>>, vector<1x16xf32>,
        %parallel_loop3A_223 = arith.index_cast %parallel_loop3A_186 : i32 to index
        %parallel_loop3A_224 = arith.constant 48 : index
        %parallel_loop3A_225 = tpu.vector_load %arg7[%parallel_loop3A_223, %parallel_loop3A_224] {strides = array<i32>} : memref<128x64xf32, #tpu.memory_space<vmem>>, vector<1x16xf32>,
        %parallel_loop3A_226 = vector.shape_cast %parallel_loop3A_225 : vector<1x16xf32> to vector<16xf32>
        %parallel_loop3A_227 = arith.constant 8.000000e+00 : f32
        %parallel_loop3A_228 = vector.broadcast %parallel_loop3A_227 : f32 to vector<16xf32>
        %parallel_loop3A_229 = arith.mulf %parallel_loop3A_226, %parallel_loop3A_228 : vector<16xf32>
        %parallel_loop3A_230 = arith.index_cast %parallel_loop3A_186 : i32 to index
        %parallel_loop3A_231 = arith.constant 48 : index
        %parallel_loop3A_232 = tpu.vector_load %arg7[%parallel_loop3A_230, %parallel_loop3A_231] {strides = array<i32>} : memref<128x64xf32, #tpu.memory_space<vmem>>, vector<1x16xf32>,
        %parallel_loop3A_233 = vector.shape_cast %parallel_loop3A_232 : vector<1x16xf32> to vector<16xf32>
        %parallel_loop3A_234 = vector.shape_cast %parallel_loop3A_229 : vector<16xf32> to vector<1x16xf32>
        tpu.vector_store %arg7[%parallel_loop3A_230, %parallel_loop3A_231], %parallel_loop3A_234 {strides = array<i32>} : memref<128x64xf32, #tpu.memory_space<vmem>>, vector<1x16xf32>,
      } {sc.loop_unroll_factor = 4 : i64, sc.parallel_access}
      %mul3A_67 = arith.constant 128 : i32
      %mul3A_68 = arith.muli %add3A_52, %mul3A_67 : i32
      %add3A_69 = arith.addi %mul3A_2, %mul3A_68 : i32
      %dma_start3A_70 = arith.constant 0 : i32
      %dma_start3A_71 = tpu.memref_slice %arg4[%add3A_69, %dma_start3A_70] : memref<819200x128xf32, #tpu.memory_space<hbm>> -> memref<128x64xf32, #tpu.memory_space<hbm>>
      %dma_start3A_72 = arith.constant 0 : i32
      %dma_start3A_73 = tpu.memref_slice %arg4[%add3A_69, %dma_start3A_72] : memref<819200x128xf32, #tpu.memory_space<hbm>> -> memref<128x64xf32, #tpu.memory_space<hbm>>
      tpu.enqueue_dma source(%arg7 : memref<128x64xf32, #tpu.memory_space<vmem>>) target(%dma_start3A_73 : memref<128x64xf32, #tpu.memory_space<hbm>>) target_semaphore(%arg17 : memref<!tpu.dma_semaphore, #tpu.memory_space<semaphore_mem>>)
      %mul3A_74 = arith.constant 5 : i32
      %mul3A_75 = arith.muli %scan3A_48, %mul3A_74 : i32
      %add3A_76 = arith.constant 1 : i32
      %add3A_77 = arith.addi %mul3A_75, %add3A_76 : i32
      %add3A_78 = arith.constant 3 : i32
      %add3A_79 = arith.addi %add3A_77, %add3A_78 : i32
      %lt3A_80 = arith.constant 200 : i32
      %lt3A_81 = arith.cmpi slt, %add3A_79, %lt3A_80 : i32
      %convert_element_type3A_82 = arith.extui %lt3A_81 : i1 to i32
      %cond3A_83 = arith.constant 0 : i32
      %cond3A_84 = arith.cmpi ne, %convert_element_type3A_82, %cond3A_83 : i32
      scf.if %cond3A_84 {
        %ge3A = arith.constant 2 : i32
        %ge3A_186 = arith.cmpi sge, %add3A_77, %ge3A : i32
        %convert_element_type3A_187 = arith.extui %ge3A_186 : i1 to i32
        %cond3A_188 = arith.constant 0 : i32
        %cond3A_189 = arith.cmpi ne, %convert_element_type3A_187, %cond3A_188 : i32
        scf.if %cond3A_189 {
          %dma_wait3A_198 = arith.constant 0 : i32
          %dma_wait3A_199 = tpu.memref_slice %arg4[%mul3A_2, %dma_wait3A_198] : memref<819200x128xf32, #tpu.memory_space<hbm>> -> memref<128x64xf32, #tpu.memory_space<hbm>>
          %dma_wait3A_200 = arith.constant 0 : i32
          %dma_wait3A_201 = tpu.memref_slice %arg4[%mul3A_2, %dma_wait3A_200] : memref<819200x128xf32, #tpu.memory_space<hbm>> -> memref<128x64xf32, #tpu.memory_space<hbm>>
          tpu.wait_dma2 semaphore(%arg21 : memref<!tpu.dma_semaphore, #tpu.memory_space<semaphore_mem>>) src(%arg11 : memref<128x64xf32, #tpu.memory_space<vmem>>) dst(%dma_wait3A_201 : memref<128x64xf32, #tpu.memory_space<hbm>>)
        } else {
        }
        %add3A_190 = arith.constant 3 : i32
        %add3A_191 = arith.addi %add3A_77, %add3A_190 : i32
        %dma_start3A_192 = arith.constant 0 : i32
        %dma_start3A_193 = tpu.memref_slice %arg6[%add3A_191, %dma_start3A_192] : memref<200x128xi32, #tpu.memory_space<vmem>> -> memref<1x128xi32, #tpu.memory_space<vmem>>
        %dma_start3A_194 = tpu.memref_squeeze %dma_start3A_193 : memref<1x128xi32, #tpu.memory_space<vmem>> -> memref<128xi32, #tpu.memory_space<vmem>>
        %dma_start3A_195 = arith.constant 0 : i32
        %dma_start3A_196 = arith.constant 0 : i32
        %dma_start3A_197 = tpu.memref_slice %arg3[%dma_start3A_195, %dma_start3A_196] : memref<2000000x64xf32, #tpu.memory_space<hbm>> -> memref<2000000x64xf32, #tpu.memory_space<hbm>>
        tpu.enqueue_indirect_dma source(%dma_start3A_197 : memref<2000000x64xf32, #tpu.memory_space<hbm>>) target(%arg11 : memref<128x64xf32, #tpu.memory_space<vmem>>) offsets(%dma_start3A_194 : memref<128xi32, #tpu.memory_space<vmem>>) semaphore(%arg16 : memref<!tpu.dma_semaphore, #tpu.memory_space<semaphore_mem>>)
      } else {
      }
      %dma_wait3A_85 = arith.constant 0 : i32
      %dma_wait3A_86 = arith.constant 0 : i32
      %dma_wait3A_87 = tpu.memref_slice %arg6[%dma_wait3A_85, %dma_wait3A_86] : memref<200x128xi32, #tpu.memory_space<vmem>> -> memref<1x128xi32, #tpu.memory_space<vmem>>
      %dma_wait3A_88 = tpu.memref_squeeze %dma_wait3A_87 : memref<1x128xi32, #tpu.memory_space<vmem>> -> memref<128xi32, #tpu.memory_space<vmem>>
      %dma_wait3A_89 = arith.constant 0 : i32
      %dma_wait3A_90 = arith.constant 0 : i32
      %dma_wait3A_91 = tpu.memref_slice %arg3[%dma_wait3A_89, %dma_wait3A_90] : memref<2000000x64xf32, #tpu.memory_space<hbm>> -> memref<2000000x64xf32, #tpu.memory_space<hbm>>
      tpu.wait_indirect_dma semaphore(%arg13 : memref<!tpu.dma_semaphore, #tpu.memory_space<semaphore_mem>>) src(%dma_wait3A_91 : memref<2000000x64xf32, #tpu.memory_space<hbm>>) dst(%arg8 : memref<128x64xf32, #tpu.memory_space<vmem>>)
      %parallel_loop3A_92 = arith.constant 0 : i32
      %parallel_loop3A_93 = arith.constant 128 : i32
      %parallel_loop3A_94 = arith.constant 1 : i32
      scf.for %parallel_loop3A_186 = %parallel_loop3A_92 to %parallel_loop3A_93 step %parallel_loop3A_94  : i32 {
        %parallel_loop3A_187 = arith.index_cast %parallel_loop3A_186 : i32 to index
        %parallel_loop3A_188 = arith.constant 0 : index
        %parallel_loop3A_189 = tpu.vector_load %arg8[%parallel_loop3A_187, %parallel_loop3A_188] {strides = array<i32>} : memref<128x64xf32, #tpu.memory_space<vmem>>, vector<1x16xf32>,
        %parallel_loop3A_190 = vector.shape_cast %parallel_loop3A_189 : vector<1x16xf32> to vector<16xf32>
        %parallel_loop3A_191 = arith.constant 8.000000e+00 : f32
        %parallel_loop3A_192 = vector.broadcast %parallel_loop3A_191 : f32 to vector<16xf32>
        %parallel_loop3A_193 = arith.mulf %parallel_loop3A_190, %parallel_loop3A_192 : vector<16xf32>
        %parallel_loop3A_194 = arith.index_cast %parallel_loop3A_186 : i32 to index
        %parallel_loop3A_195 = arith.constant 0 : index
        %parallel_loop3A_196 = tpu.vector_load %arg8[%parallel_loop3A_194, %parallel_loop3A_195] {strides = array<i32>} : memref<128x64xf32, #tpu.memory_space<vmem>>, vector<1x16xf32>,
        %parallel_loop3A_197 = vector.shape_cast %parallel_loop3A_196 : vector<1x16xf32> to vector<16xf32>
        %parallel_loop3A_198 = vector.shape_cast %parallel_loop3A_193 : vector<16xf32> to vector<1x16xf32>
        tpu.vector_store %arg8[%parallel_loop3A_194, %parallel_loop3A_195], %parallel_loop3A_198 {strides = array<i32>} : memref<128x64xf32, #tpu.memory_space<vmem>>, vector<1x16xf32>,
        %parallel_loop3A_199 = arith.index_cast %parallel_loop3A_186 : i32 to index
        %parallel_loop3A_200 = arith.constant 16 : index
        %parallel_loop3A_201 = tpu.vector_load %arg8[%parallel_loop3A_199, %parallel_loop3A_200] {strides = array<i32>} : memref<128x64xf32, #tpu.memory_space<vmem>>, vector<1x16xf32>,
        %parallel_loop3A_202 = vector.shape_cast %parallel_loop3A_201 : vector<1x16xf32> to vector<16xf32>
        %parallel_loop3A_203 = arith.constant 8.000000e+00 : f32
        %parallel_loop3A_204 = vector.broadcast %parallel_loop3A_203 : f32 to vector<16xf32>
        %parallel_loop3A_205 = arith.mulf %parallel_loop3A_202, %parallel_loop3A_204 : vector<16xf32>
        %parallel_loop3A_206 = arith.index_cast %parallel_loop3A_186 : i32 to index
        %parallel_loop3A_207 = arith.constant 16 : index
        %parallel_loop3A_208 = tpu.vector_load %arg8[%parallel_loop3A_206, %parallel_loop3A_207] {strides = array<i32>} : memref<128x64xf32, #tpu.memory_space<vmem>>, vector<1x16xf32>,
        %parallel_loop3A_209 = vector.shape_cast %parallel_loop3A_208 : vector<1x16xf32> to vector<16xf32>
        %parallel_loop3A_210 = vector.shape_cast %parallel_loop3A_205 : vector<16xf32> to vector<1x16xf32>
        tpu.vector_store %arg8[%parallel_loop3A_206, %parallel_loop3A_207], %parallel_loop3A_210 {strides = array<i32>} : memref<128x64xf32, #tpu.memory_space<vmem>>, vector<1x16xf32>,
        %parallel_loop3A_211 = arith.index_cast %parallel_loop3A_186 : i32 to index
        %parallel_loop3A_212 = arith.constant 32 : index
        %parallel_loop3A_213 = tpu.vector_load %arg8[%parallel_loop3A_211, %parallel_loop3A_212] {strides = array<i32>} : memref<128x64xf32, #tpu.memory_space<vmem>>, vector<1x16xf32>,
        %parallel_loop3A_214 = vector.shape_cast %parallel_loop3A_213 : vector<1x16xf32> to vector<16xf32>
        %parallel_loop3A_215 = arith.constant 8.000000e+00 : f32
        %parallel_loop3A_216 = vector.broadcast %parallel_loop3A_215 : f32 to vector<16xf32>
        %parallel_loop3A_217 = arith.mulf %parallel_loop3A_214, %parallel_loop3A_216 : vector<16xf32>
        %parallel_loop3A_218 = arith.index_cast %parallel_loop3A_186 : i32 to index
        %parallel_loop3A_219 = arith.constant 32 : index
        %parallel_loop3A_220 = tpu.vector_load %arg8[%parallel_loop3A_218, %parallel_loop3A_219] {strides = array<i32>} : memref<128x64xf32, #tpu.memory_space<vmem>>, vector<1x16xf32>,
        %parallel_loop3A_221 = vector.shape_cast %parallel_loop3A_220 : vector<1x16xf32> to vector<16xf32>
        %parallel_loop3A_222 = vector.shape_cast %parallel_loop3A_217 : vector<16xf32> to vector<1x16xf32>
        tpu.vector_store %arg8[%parallel_loop3A_218, %parallel_loop3A_219], %parallel_loop3A_222 {strides = array<i32>} : memref<128x64xf32, #tpu.memory_space<vmem>>, vector<1x16xf32>,
        %parallel_loop3A_223 = arith.index_cast %parallel_loop3A_186 : i32 to index
        %parallel_loop3A_224 = arith.constant 48 : index
        %parallel_loop3A_225 = tpu.vector_load %arg8[%parallel_loop3A_223, %parallel_loop3A_224] {strides = array<i32>} : memref<128x64xf32, #tpu.memory_space<vmem>>, vector<1x16xf32>,
        %parallel_loop3A_226 = vector.shape_cast %parallel_loop3A_225 : vector<1x16xf32> to vector<16xf32>
        %parallel_loop3A_227 = arith.constant 8.000000e+00 : f32
        %parallel_loop3A_228 = vector.broadcast %parallel_loop3A_227 : f32 to vector<16xf32>
        %parallel_loop3A_229 = arith.mulf %parallel_loop3A_226, %parallel_loop3A_228 : vector<16xf32>
        %parallel_loop3A_230 = arith.index_cast %parallel_loop3A_186 : i32 to index
        %parallel_loop3A_231 = arith.constant 48 : index
        %parallel_loop3A_232 = tpu.vector_load %arg8[%parallel_loop3A_230, %parallel_loop3A_231] {strides = array<i32>} : memref<128x64xf32, #tpu.memory_space<vmem>>, vector<1x16xf32>,
        %parallel_loop3A_233 = vector.shape_cast %parallel_loop3A_232 : vector<1x16xf32> to vector<16xf32>
        %parallel_loop3A_234 = vector.shape_cast %parallel_loop3A_229 : vector<16xf32> to vector<1x16xf32>
        tpu.vector_store %arg8[%parallel_loop3A_230, %parallel_loop3A_231], %parallel_loop3A_234 {strides = array<i32>} : memref<128x64xf32, #tpu.memory_space<vmem>>, vector<1x16xf32>,
      } {sc.loop_unroll_factor = 4 : i64, sc.parallel_access}
      %mul3A_95 = arith.constant 128 : i32
      %mul3A_96 = arith.muli %add3A_77, %mul3A_95 : i32
      %add3A_97 = arith.addi %mul3A_2, %mul3A_96 : i32
      %dma_start3A_98 = arith.constant 0 : i32
      %dma_start3A_99 = tpu.memref_slice %arg4[%add3A_97, %dma_start3A_98] : memref<819200x128xf32, #tpu.memory_space<hbm>> -> memref<128x64xf32, #tpu.memory_space<hbm>>
      %dma_start3A_100 = arith.constant 0 : i32
      %dma_start3A_101 = tpu.memref_slice %arg4[%add3A_97, %dma_start3A_100] : memref<819200x128xf32, #tpu.memory_space<hbm>> -> memref<128x64xf32, #tpu.memory_space<hbm>>
      tpu.enqueue_dma source(%arg8 : memref<128x64xf32, #tpu.memory_space<vmem>>) target(%dma_start3A_101 : memref<128x64xf32, #tpu.memory_space<hbm>>) target_semaphore(%arg18 : memref<!tpu.dma_semaphore, #tpu.memory_space<semaphore_mem>>)
      %mul3A_102 = arith.constant 5 : i32
      %mul3A_103 = arith.muli %scan3A_48, %mul3A_102 : i32
      %add3A_104 = arith.constant 2 : i32
      %add3A_105 = arith.addi %mul3A_103, %add3A_104 : i32
      %add3A_106 = arith.constant 3 : i32
      %add3A_107 = arith.addi %add3A_105, %add3A_106 : i32
      %lt3A_108 = arith.constant 200 : i32
      %lt3A_109 = arith.cmpi slt, %add3A_107, %lt3A_108 : i32
      %convert_element_type3A_110 = arith.extui %lt3A_109 : i1 to i32
      %cond3A_111 = arith.constant 0 : i32
      %cond3A_112 = arith.cmpi ne, %convert_element_type3A_110, %cond3A_111 : i32
      scf.if %cond3A_112 {
        %ge3A = arith.constant 2 : i32
        %ge3A_186 = arith.cmpi sge, %add3A_105, %ge3A : i32
        %convert_element_type3A_187 = arith.extui %ge3A_186 : i1 to i32
        %cond3A_188 = arith.constant 0 : i32
        %cond3A_189 = arith.cmpi ne, %convert_element_type3A_187, %cond3A_188 : i32
        scf.if %cond3A_189 {
          %dma_wait3A_198 = arith.constant 0 : i32
          %dma_wait3A_199 = tpu.memref_slice %arg4[%mul3A_2, %dma_wait3A_198] : memref<819200x128xf32, #tpu.memory_space<hbm>> -> memref<128x64xf32, #tpu.memory_space<hbm>>
          %dma_wait3A_200 = arith.constant 0 : i32
          %dma_wait3A_201 = tpu.memref_slice %arg4[%mul3A_2, %dma_wait3A_200] : memref<819200x128xf32, #tpu.memory_space<hbm>> -> memref<128x64xf32, #tpu.memory_space<hbm>>
          tpu.wait_dma2 semaphore(%arg17 : memref<!tpu.dma_semaphore, #tpu.memory_space<semaphore_mem>>) src(%arg7 : memref<128x64xf32, #tpu.memory_space<vmem>>) dst(%dma_wait3A_201 : memref<128x64xf32, #tpu.memory_space<hbm>>)
        } else {
        }
        %add3A_190 = arith.constant 3 : i32
        %add3A_191 = arith.addi %add3A_105, %add3A_190 : i32
        %dma_start3A_192 = arith.constant 0 : i32
        %dma_start3A_193 = tpu.memref_slice %arg6[%add3A_191, %dma_start3A_192] : memref<200x128xi32, #tpu.memory_space<vmem>> -> memref<1x128xi32, #tpu.memory_space<vmem>>
        %dma_start3A_194 = tpu.memref_squeeze %dma_start3A_193 : memref<1x128xi32, #tpu.memory_space<vmem>> -> memref<128xi32, #tpu.memory_space<vmem>>
        %dma_start3A_195 = arith.constant 0 : i32
        %dma_start3A_196 = arith.constant 0 : i32
        %dma_start3A_197 = tpu.memref_slice %arg3[%dma_start3A_195, %dma_start3A_196] : memref<2000000x64xf32, #tpu.memory_space<hbm>> -> memref<2000000x64xf32, #tpu.memory_space<hbm>>
        tpu.enqueue_indirect_dma source(%dma_start3A_197 : memref<2000000x64xf32, #tpu.memory_space<hbm>>) target(%arg7 : memref<128x64xf32, #tpu.memory_space<vmem>>) offsets(%dma_start3A_194 : memref<128xi32, #tpu.memory_space<vmem>>) semaphore(%arg12 : memref<!tpu.dma_semaphore, #tpu.memory_space<semaphore_mem>>)
      } else {
      }
      %dma_wait3A_113 = arith.constant 0 : i32
      %dma_wait3A_114 = arith.constant 0 : i32
      %dma_wait3A_115 = tpu.memref_slice %arg6[%dma_wait3A_113, %dma_wait3A_114] : memref<200x128xi32, #tpu.memory_space<vmem>> -> memref<1x128xi32, #tpu.memory_space<vmem>>
      %dma_wait3A_116 = tpu.memref_squeeze %dma_wait3A_115 : memref<1x128xi32, #tpu.memory_space<vmem>> -> memref<128xi32, #tpu.memory_space<vmem>>
      %dma_wait3A_117 = arith.constant 0 : i32
      %dma_wait3A_118 = arith.constant 0 : i32
      %dma_wait3A_119 = tpu.memref_slice %arg3[%dma_wait3A_117, %dma_wait3A_118] : memref<2000000x64xf32, #tpu.memory_space<hbm>> -> memref<2000000x64xf32, #tpu.memory_space<hbm>>
      tpu.wait_indirect_dma semaphore(%arg14 : memref<!tpu.dma_semaphore, #tpu.memory_space<semaphore_mem>>) src(%dma_wait3A_119 : memref<2000000x64xf32, #tpu.memory_space<hbm>>) dst(%arg9 : memref<128x64xf32, #tpu.memory_space<vmem>>)
      %parallel_loop3A_120 = arith.constant 0 : i32
      %parallel_loop3A_121 = arith.constant 128 : i32
      %parallel_loop3A_122 = arith.constant 1 : i32
      scf.for %parallel_loop3A_186 = %parallel_loop3A_120 to %parallel_loop3A_121 step %parallel_loop3A_122  : i32 {
        %parallel_loop3A_187 = arith.index_cast %parallel_loop3A_186 : i32 to index
        %parallel_loop3A_188 = arith.constant 0 : index
        %parallel_loop3A_189 = tpu.vector_load %arg9[%parallel_loop3A_187, %parallel_loop3A_188] {strides = array<i32>} : memref<128x64xf32, #tpu.memory_space<vmem>>, vector<1x16xf32>,
        %parallel_loop3A_190 = vector.shape_cast %parallel_loop3A_189 : vector<1x16xf32> to vector<16xf32>
        %parallel_loop3A_191 = arith.constant 8.000000e+00 : f32
        %parallel_loop3A_192 = vector.broadcast %parallel_loop3A_191 : f32 to vector<16xf32>
        %parallel_loop3A_193 = arith.mulf %parallel_loop3A_190, %parallel_loop3A_192 : vector<16xf32>
        %parallel_loop3A_194 = arith.index_cast %parallel_loop3A_186 : i32 to index
        %parallel_loop3A_195 = arith.constant 0 : index
        %parallel_loop3A_196 = tpu.vector_load %arg9[%parallel_loop3A_194, %parallel_loop3A_195] {strides = array<i32>} : memref<128x64xf32, #tpu.memory_space<vmem>>, vector<1x16xf32>,
        %parallel_loop3A_197 = vector.shape_cast %parallel_loop3A_196 : vector<1x16xf32> to vector<16xf32>
        %parallel_loop3A_198 = vector.shape_cast %parallel_loop3A_193 : vector<16xf32> to vector<1x16xf32>
        tpu.vector_store %arg9[%parallel_loop3A_194, %parallel_loop3A_195], %parallel_loop3A_198 {strides = array<i32>} : memref<128x64xf32, #tpu.memory_space<vmem>>, vector<1x16xf32>,
        %parallel_loop3A_199 = arith.index_cast %parallel_loop3A_186 : i32 to index
        %parallel_loop3A_200 = arith.constant 16 : index
        %parallel_loop3A_201 = tpu.vector_load %arg9[%parallel_loop3A_199, %parallel_loop3A_200] {strides = array<i32>} : memref<128x64xf32, #tpu.memory_space<vmem>>, vector<1x16xf32>,
        %parallel_loop3A_202 = vector.shape_cast %parallel_loop3A_201 : vector<1x16xf32> to vector<16xf32>
        %parallel_loop3A_203 = arith.constant 8.000000e+00 : f32
        %parallel_loop3A_204 = vector.broadcast %parallel_loop3A_203 : f32 to vector<16xf32>
        %parallel_loop3A_205 = arith.mulf %parallel_loop3A_202, %parallel_loop3A_204 : vector<16xf32>
        %parallel_loop3A_206 = arith.index_cast %parallel_loop3A_186 : i32 to index
        %parallel_loop3A_207 = arith.constant 16 : index
        %parallel_loop3A_208 = tpu.vector_load %arg9[%parallel_loop3A_206, %parallel_loop3A_207] {strides = array<i32>} : memref<128x64xf32, #tpu.memory_space<vmem>>, vector<1x16xf32>,
        %parallel_loop3A_209 = vector.shape_cast %parallel_loop3A_208 : vector<1x16xf32> to vector<16xf32>
        %parallel_loop3A_210 = vector.shape_cast %parallel_loop3A_205 : vector<16xf32> to vector<1x16xf32>
        tpu.vector_store %arg9[%parallel_loop3A_206, %parallel_loop3A_207], %parallel_loop3A_210 {strides = array<i32>} : memref<128x64xf32, #tpu.memory_space<vmem>>, vector<1x16xf32>,
        %parallel_loop3A_211 = arith.index_cast %parallel_loop3A_186 : i32 to index
        %parallel_loop3A_212 = arith.constant 32 : index
        %parallel_loop3A_213 = tpu.vector_load %arg9[%parallel_loop3A_211, %parallel_loop3A_212] {strides = array<i32>} : memref<128x64xf32, #tpu.memory_space<vmem>>, vector<1x16xf32>,
        %parallel_loop3A_214 = vector.shape_cast %parallel_loop3A_213 : vector<1x16xf32> to vector<16xf32>
        %parallel_loop3A_215 = arith.constant 8.000000e+00 : f32
        %parallel_loop3A_216 = vector.broadcast %parallel_loop3A_215 : f32 to vector<16xf32>
        %parallel_loop3A_217 = arith.mulf %parallel_loop3A_214, %parallel_loop3A_216 : vector<16xf32>
        %parallel_loop3A_218 = arith.index_cast %parallel_loop3A_186 : i32 to index
        %parallel_loop3A_219 = arith.constant 32 : index
        %parallel_loop3A_220 = tpu.vector_load %arg9[%parallel_loop3A_218, %parallel_loop3A_219] {strides = array<i32>} : memref<128x64xf32, #tpu.memory_space<vmem>>, vector<1x16xf32>,
        %parallel_loop3A_221 = vector.shape_cast %parallel_loop3A_220 : vector<1x16xf32> to vector<16xf32>
        %parallel_loop3A_222 = vector.shape_cast %parallel_loop3A_217 : vector<16xf32> to vector<1x16xf32>
        tpu.vector_store %arg9[%parallel_loop3A_218, %parallel_loop3A_219], %parallel_loop3A_222 {strides = array<i32>} : memref<128x64xf32, #tpu.memory_space<vmem>>, vector<1x16xf32>,
        %parallel_loop3A_223 = arith.index_cast %parallel_loop3A_186 : i32 to index
        %parallel_loop3A_224 = arith.constant 48 : index
        %parallel_loop3A_225 = tpu.vector_load %arg9[%parallel_loop3A_223, %parallel_loop3A_224] {strides = array<i32>} : memref<128x64xf32, #tpu.memory_space<vmem>>, vector<1x16xf32>,
        %parallel_loop3A_226 = vector.shape_cast %parallel_loop3A_225 : vector<1x16xf32> to vector<16xf32>
        %parallel_loop3A_227 = arith.constant 8.000000e+00 : f32
        %parallel_loop3A_228 = vector.broadcast %parallel_loop3A_227 : f32 to vector<16xf32>
        %parallel_loop3A_229 = arith.mulf %parallel_loop3A_226, %parallel_loop3A_228 : vector<16xf32>
        %parallel_loop3A_230 = arith.index_cast %parallel_loop3A_186 : i32 to index
        %parallel_loop3A_231 = arith.constant 48 : index
        %parallel_loop3A_232 = tpu.vector_load %arg9[%parallel_loop3A_230, %parallel_loop3A_231] {strides = array<i32>} : memref<128x64xf32, #tpu.memory_space<vmem>>, vector<1x16xf32>,
        %parallel_loop3A_233 = vector.shape_cast %parallel_loop3A_232 : vector<1x16xf32> to vector<16xf32>
        %parallel_loop3A_234 = vector.shape_cast %parallel_loop3A_229 : vector<16xf32> to vector<1x16xf32>
        tpu.vector_store %arg9[%parallel_loop3A_230, %parallel_loop3A_231], %parallel_loop3A_234 {strides = array<i32>} : memref<128x64xf32, #tpu.memory_space<vmem>>, vector<1x16xf32>,
      } {sc.loop_unroll_factor = 4 : i64, sc.parallel_access}
      %mul3A_123 = arith.constant 128 : i32
      %mul3A_124 = arith.muli %add3A_105, %mul3A_123 : i32
      %add3A_125 = arith.addi %mul3A_2, %mul3A_124 : i32
      %dma_start3A_126 = arith.constant 0 : i32
      %dma_start3A_127 = tpu.memref_slice %arg4[%add3A_125, %dma_start3A_126] : memref<819200x128xf32, #tpu.memory_space<hbm>> -> memref<128x64xf32, #tpu.memory_space<hbm>>
      %dma_start3A_128 = arith.constant 0 : i32
      %dma_start3A_129 = tpu.memref_slice %arg4[%add3A_125, %dma_start3A_128] : memref<819200x128xf32, #tpu.memory_space<hbm>> -> memref<128x64xf32, #tpu.memory_space<hbm>>
      tpu.enqueue_dma source(%arg9 : memref<128x64xf32, #tpu.memory_space<vmem>>) target(%dma_start3A_129 : memref<128x64xf32, #tpu.memory_space<hbm>>) target_semaphore(%arg19 : memref<!tpu.dma_semaphore, #tpu.memory_space<semaphore_mem>>)
      %mul3A_130 = arith.constant 5 : i32
      %mul3A_131 = arith.muli %scan3A_48, %mul3A_130 : i32
      %add3A_132 = arith.constant 3 : i32
      %add3A_133 = arith.addi %mul3A_131, %add3A_132 : i32
      %add3A_134 = arith.constant 3 : i32
      %add3A_135 = arith.addi %add3A_133, %add3A_134 : i32
      %lt3A_136 = arith.constant 200 : i32
      %lt3A_137 = arith.cmpi slt, %add3A_135, %lt3A_136 : i32
      %convert_element_type3A_138 = arith.extui %lt3A_137 : i1 to i32
      %cond3A_139 = arith.constant 0 : i32
      %cond3A_140 = arith.cmpi ne, %convert_element_type3A_138, %cond3A_139 : i32
      scf.if %cond3A_140 {
        %ge3A = arith.constant 2 : i32
        %ge3A_186 = arith.cmpi sge, %add3A_133, %ge3A : i32
        %convert_element_type3A_187 = arith.extui %ge3A_186 : i1 to i32
        %cond3A_188 = arith.constant 0 : i32
        %cond3A_189 = arith.cmpi ne, %convert_element_type3A_187, %cond3A_188 : i32
        scf.if %cond3A_189 {
          %dma_wait3A_198 = arith.constant 0 : i32
          %dma_wait3A_199 = tpu.memref_slice %arg4[%mul3A_2, %dma_wait3A_198] : memref<819200x128xf32, #tpu.memory_space<hbm>> -> memref<128x64xf32, #tpu.memory_space<hbm>>
          %dma_wait3A_200 = arith.constant 0 : i32
          %dma_wait3A_201 = tpu.memref_slice %arg4[%mul3A_2, %dma_wait3A_200] : memref<819200x128xf32, #tpu.memory_space<hbm>> -> memref<128x64xf32, #tpu.memory_space<hbm>>
          tpu.wait_dma2 semaphore(%arg18 : memref<!tpu.dma_semaphore, #tpu.memory_space<semaphore_mem>>) src(%arg8 : memref<128x64xf32, #tpu.memory_space<vmem>>) dst(%dma_wait3A_201 : memref<128x64xf32, #tpu.memory_space<hbm>>)
        } else {
        }
        %add3A_190 = arith.constant 3 : i32
        %add3A_191 = arith.addi %add3A_133, %add3A_190 : i32
        %dma_start3A_192 = arith.constant 0 : i32
        %dma_start3A_193 = tpu.memref_slice %arg6[%add3A_191, %dma_start3A_192] : memref<200x128xi32, #tpu.memory_space<vmem>> -> memref<1x128xi32, #tpu.memory_space<vmem>>
        %dma_start3A_194 = tpu.memref_squeeze %dma_start3A_193 : memref<1x128xi32, #tpu.memory_space<vmem>> -> memref<128xi32, #tpu.memory_space<vmem>>
        %dma_start3A_195 = arith.constant 0 : i32
        %dma_start3A_196 = arith.constant 0 : i32
        %dma_start3A_197 = tpu.memref_slice %arg3[%dma_start3A_195, %dma_start3A_196] : memref<2000000x64xf32, #tpu.memory_space<hbm>> -> memref<2000000x64xf32, #tpu.memory_space<hbm>>
        tpu.enqueue_indirect_dma source(%dma_start3A_197 : memref<2000000x64xf32, #tpu.memory_space<hbm>>) target(%arg8 : memref<128x64xf32, #tpu.memory_space<vmem>>) offsets(%dma_start3A_194 : memref<128xi32, #tpu.memory_space<vmem>>) semaphore(%arg13 : memref<!tpu.dma_semaphore, #tpu.memory_space<semaphore_mem>>)
      } else {
      }
      %dma_wait3A_141 = arith.constant 0 : i32
      %dma_wait3A_142 = arith.constant 0 : i32
      %dma_wait3A_143 = tpu.memref_slice %arg6[%dma_wait3A_141, %dma_wait3A_142] : memref<200x128xi32, #tpu.memory_space<vmem>> -> memref<1x128xi32, #tpu.memory_space<vmem>>
      %dma_wait3A_144 = tpu.memref_squeeze %dma_wait3A_143 : memref<1x128xi32, #tpu.memory_space<vmem>> -> memref<128xi32, #tpu.memory_space<vmem>>
      %dma_wait3A_145 = arith.constant 0 : i32
      %dma_wait3A_146 = arith.constant 0 : i32
      %dma_wait3A_147 = tpu.memref_slice %arg3[%dma_wait3A_145, %dma_wait3A_146] : memref<2000000x64xf32, #tpu.memory_space<hbm>> -> memref<2000000x64xf32, #tpu.memory_space<hbm>>
      tpu.wait_indirect_dma semaphore(%arg15 : memref<!tpu.dma_semaphore, #tpu.memory_space<semaphore_mem>>) src(%dma_wait3A_147 : memref<2000000x64xf32, #tpu.memory_space<hbm>>) dst(%arg10 : memref<128x64xf32, #tpu.memory_space<vmem>>)
      %parallel_loop3A_148 = arith.constant 0 : i32
      %parallel_loop3A_149 = arith.constant 128 : i32
      %parallel_loop3A_150 = arith.constant 1 : i32
      scf.for %parallel_loop3A_186 = %parallel_loop3A_148 to %parallel_loop3A_149 step %parallel_loop3A_150  : i32 {
        %parallel_loop3A_187 = arith.index_cast %parallel_loop3A_186 : i32 to index
        %parallel_loop3A_188 = arith.constant 0 : index
        %parallel_loop3A_189 = tpu.vector_load %arg10[%parallel_loop3A_187, %parallel_loop3A_188] {strides = array<i32>} : memref<128x64xf32, #tpu.memory_space<vmem>>, vector<1x16xf32>,
        %parallel_loop3A_190 = vector.shape_cast %parallel_loop3A_189 : vector<1x16xf32> to vector<16xf32>
        %parallel_loop3A_191 = arith.constant 8.000000e+00 : f32
        %parallel_loop3A_192 = vector.broadcast %parallel_loop3A_191 : f32 to vector<16xf32>
        %parallel_loop3A_193 = arith.mulf %parallel_loop3A_190, %parallel_loop3A_192 : vector<16xf32>
        %parallel_loop3A_194 = arith.index_cast %parallel_loop3A_186 : i32 to index
        %parallel_loop3A_195 = arith.constant 0 : index
        %parallel_loop3A_196 = tpu.vector_load %arg10[%parallel_loop3A_194, %parallel_loop3A_195] {strides = array<i32>} : memref<128x64xf32, #tpu.memory_space<vmem>>, vector<1x16xf32>,
        %parallel_loop3A_197 = vector.shape_cast %parallel_loop3A_196 : vector<1x16xf32> to vector<16xf32>
        %parallel_loop3A_198 = vector.shape_cast %parallel_loop3A_193 : vector<16xf32> to vector<1x16xf32>
        tpu.vector_store %arg10[%parallel_loop3A_194, %parallel_loop3A_195], %parallel_loop3A_198 {strides = array<i32>} : memref<128x64xf32, #tpu.memory_space<vmem>>, vector<1x16xf32>,
        %parallel_loop3A_199 = arith.index_cast %parallel_loop3A_186 : i32 to index
        %parallel_loop3A_200 = arith.constant 16 : index
        %parallel_loop3A_201 = tpu.vector_load %arg10[%parallel_loop3A_199, %parallel_loop3A_200] {strides = array<i32>} : memref<128x64xf32, #tpu.memory_space<vmem>>, vector<1x16xf32>,
        %parallel_loop3A_202 = vector.shape_cast %parallel_loop3A_201 : vector<1x16xf32> to vector<16xf32>
        %parallel_loop3A_203 = arith.constant 8.000000e+00 : f32
        %parallel_loop3A_204 = vector.broadcast %parallel_loop3A_203 : f32 to vector<16xf32>
        %parallel_loop3A_205 = arith.mulf %parallel_loop3A_202, %parallel_loop3A_204 : vector<16xf32>
        %parallel_loop3A_206 = arith.index_cast %parallel_loop3A_186 : i32 to index
        %parallel_loop3A_207 = arith.constant 16 : index
        %parallel_loop3A_208 = tpu.vector_load %arg10[%parallel_loop3A_206, %parallel_loop3A_207] {strides = array<i32>} : memref<128x64xf32, #tpu.memory_space<vmem>>, vector<1x16xf32>,
        %parallel_loop3A_209 = vector.shape_cast %parallel_loop3A_208 : vector<1x16xf32> to vector<16xf32>
        %parallel_loop3A_210 = vector.shape_cast %parallel_loop3A_205 : vector<16xf32> to vector<1x16xf32>
        tpu.vector_store %arg10[%parallel_loop3A_206, %parallel_loop3A_207], %parallel_loop3A_210 {strides = array<i32>} : memref<128x64xf32, #tpu.memory_space<vmem>>, vector<1x16xf32>,
        %parallel_loop3A_211 = arith.index_cast %parallel_loop3A_186 : i32 to index
        %parallel_loop3A_212 = arith.constant 32 : index
        %parallel_loop3A_213 = tpu.vector_load %arg10[%parallel_loop3A_211, %parallel_loop3A_212] {strides = array<i32>} : memref<128x64xf32, #tpu.memory_space<vmem>>, vector<1x16xf32>,
        %parallel_loop3A_214 = vector.shape_cast %parallel_loop3A_213 : vector<1x16xf32> to vector<16xf32>
        %parallel_loop3A_215 = arith.constant 8.000000e+00 : f32
        %parallel_loop3A_216 = vector.broadcast %parallel_loop3A_215 : f32 to vector<16xf32>
        %parallel_loop3A_217 = arith.mulf %parallel_loop3A_214, %parallel_loop3A_216 : vector<16xf32>
        %parallel_loop3A_218 = arith.index_cast %parallel_loop3A_186 : i32 to index
        %parallel_loop3A_219 = arith.constant 32 : index
        %parallel_loop3A_220 = tpu.vector_load %arg10[%parallel_loop3A_218, %parallel_loop3A_219] {strides = array<i32>} : memref<128x64xf32, #tpu.memory_space<vmem>>, vector<1x16xf32>,
        %parallel_loop3A_221 = vector.shape_cast %parallel_loop3A_220 : vector<1x16xf32> to vector<16xf32>
        %parallel_loop3A_222 = vector.shape_cast %parallel_loop3A_217 : vector<16xf32> to vector<1x16xf32>
        tpu.vector_store %arg10[%parallel_loop3A_218, %parallel_loop3A_219], %parallel_loop3A_222 {strides = array<i32>} : memref<128x64xf32, #tpu.memory_space<vmem>>, vector<1x16xf32>,
        %parallel_loop3A_223 = arith.index_cast %parallel_loop3A_186 : i32 to index
        %parallel_loop3A_224 = arith.constant 48 : index
        %parallel_loop3A_225 = tpu.vector_load %arg10[%parallel_loop3A_223, %parallel_loop3A_224] {strides = array<i32>} : memref<128x64xf32, #tpu.memory_space<vmem>>, vector<1x16xf32>,
        %parallel_loop3A_226 = vector.shape_cast %parallel_loop3A_225 : vector<1x16xf32> to vector<16xf32>
        %parallel_loop3A_227 = arith.constant 8.000000e+00 : f32
        %parallel_loop3A_228 = vector.broadcast %parallel_loop3A_227 : f32 to vector<16xf32>
        %parallel_loop3A_229 = arith.mulf %parallel_loop3A_226, %parallel_loop3A_228 : vector<16xf32>
        %parallel_loop3A_230 = arith.index_cast %parallel_loop3A_186 : i32 to index
        %parallel_loop3A_231 = arith.constant 48 : index
        %parallel_loop3A_232 = tpu.vector_load %arg10[%parallel_loop3A_230, %parallel_loop3A_231] {strides = array<i32>} : memref<128x64xf32, #tpu.memory_space<vmem>>, vector<1x16xf32>,
        %parallel_loop3A_233 = vector.shape_cast %parallel_loop3A_232 : vector<1x16xf32> to vector<16xf32>
        %parallel_loop3A_234 = vector.shape_cast %parallel_loop3A_229 : vector<16xf32> to vector<1x16xf32>
        tpu.vector_store %arg10[%parallel_loop3A_230, %parallel_loop3A_231], %parallel_loop3A_234 {strides = array<i32>} : memref<128x64xf32, #tpu.memory_space<vmem>>, vector<1x16xf32>,
      } {sc.loop_unroll_factor = 4 : i64, sc.parallel_access}
      %mul3A_151 = arith.constant 128 : i32
      %mul3A_152 = arith.muli %add3A_133, %mul3A_151 : i32
      %add3A_153 = arith.addi %mul3A_2, %mul3A_152 : i32
      %dma_start3A_154 = arith.constant 0 : i32
      %dma_start3A_155 = tpu.memref_slice %arg4[%add3A_153, %dma_start3A_154] : memref<819200x128xf32, #tpu.memory_space<hbm>> -> memref<128x64xf32, #tpu.memory_space<hbm>>
      %dma_start3A_156 = arith.constant 0 : i32
      %dma_start3A_157 = tpu.memref_slice %arg4[%add3A_153, %dma_start3A_156] : memref<819200x128xf32, #tpu.memory_space<hbm>> -> memref<128x64xf32, #tpu.memory_space<hbm>>
      tpu.enqueue_dma source(%arg10 : memref<128x64xf32, #tpu.memory_space<vmem>>) target(%dma_start3A_157 : memref<128x64xf32, #tpu.memory_space<hbm>>) target_semaphore(%arg20 : memref<!tpu.dma_semaphore, #tpu.memory_space<semaphore_mem>>)
      %mul3A_158 = arith.constant 5 : i32
      %mul3A_159 = arith.muli %scan3A_48, %mul3A_158 : i32
      %add3A_160 = arith.constant 4 : i32
      %add3A_161 = arith.addi %mul3A_159, %add3A_160 : i32
      %add3A_162 = arith.constant 3 : i32
      %add3A_163 = arith.addi %add3A_161, %add3A_162 : i32
      %lt3A_164 = arith.constant 200 : i32
      %lt3A_165 = arith.cmpi slt, %add3A_163, %lt3A_164 : i32
      %convert_element_type3A_166 = arith.extui %lt3A_165 : i1 to i32
      %cond3A_167 = arith.constant 0 : i32
      %cond3A_168 = arith.cmpi ne, %convert_element_type3A_166, %cond3A_167 : i32
      scf.if %cond3A_168 {
        %ge3A = arith.constant 2 : i32
        %ge3A_186 = arith.cmpi sge, %add3A_161, %ge3A : i32
        %convert_element_type3A_187 = arith.extui %ge3A_186 : i1 to i32
        %cond3A_188 = arith.constant 0 : i32
        %cond3A_189 = arith.cmpi ne, %convert_element_type3A_187, %cond3A_188 : i32
        scf.if %cond3A_189 {
          %dma_wait3A_198 = arith.constant 0 : i32
          %dma_wait3A_199 = tpu.memref_slice %arg4[%mul3A_2, %dma_wait3A_198] : memref<819200x128xf32, #tpu.memory_space<hbm>> -> memref<128x64xf32, #tpu.memory_space<hbm>>
          %dma_wait3A_200 = arith.constant 0 : i32
          %dma_wait3A_201 = tpu.memref_slice %arg4[%mul3A_2, %dma_wait3A_200] : memref<819200x128xf32, #tpu.memory_space<hbm>> -> memref<128x64xf32, #tpu.memory_space<hbm>>
          tpu.wait_dma2 semaphore(%arg19 : memref<!tpu.dma_semaphore, #tpu.memory_space<semaphore_mem>>) src(%arg9 : memref<128x64xf32, #tpu.memory_space<vmem>>) dst(%dma_wait3A_201 : memref<128x64xf32, #tpu.memory_space<hbm>>)
        } else {
        }
        %add3A_190 = arith.constant 3 : i32
        %add3A_191 = arith.addi %add3A_161, %add3A_190 : i32
        %dma_start3A_192 = arith.constant 0 : i32
        %dma_start3A_193 = tpu.memref_slice %arg6[%add3A_191, %dma_start3A_192] : memref<200x128xi32, #tpu.memory_space<vmem>> -> memref<1x128xi32, #tpu.memory_space<vmem>>
        %dma_start3A_194 = tpu.memref_squeeze %dma_start3A_193 : memref<1x128xi32, #tpu.memory_space<vmem>> -> memref<128xi32, #tpu.memory_space<vmem>>
        %dma_start3A_195 = arith.constant 0 : i32
        %dma_start3A_196 = arith.constant 0 : i32
        %dma_start3A_197 = tpu.memref_slice %arg3[%dma_start3A_195, %dma_start3A_196] : memref<2000000x64xf32, #tpu.memory_space<hbm>> -> memref<2000000x64xf32, #tpu.memory_space<hbm>>
        tpu.enqueue_indirect_dma source(%dma_start3A_197 : memref<2000000x64xf32, #tpu.memory_space<hbm>>) target(%arg9 : memref<128x64xf32, #tpu.memory_space<vmem>>) offsets(%dma_start3A_194 : memref<128xi32, #tpu.memory_space<vmem>>) semaphore(%arg14 : memref<!tpu.dma_semaphore, #tpu.memory_space<semaphore_mem>>)
      } else {
      }
      %dma_wait3A_169 = arith.constant 0 : i32
      %dma_wait3A_170 = arith.constant 0 : i32
      %dma_wait3A_171 = tpu.memref_slice %arg6[%dma_wait3A_169, %dma_wait3A_170] : memref<200x128xi32, #tpu.memory_space<vmem>> -> memref<1x128xi32, #tpu.memory_space<vmem>>
      %dma_wait3A_172 = tpu.memref_squeeze %dma_wait3A_171 : memref<1x128xi32, #tpu.memory_space<vmem>> -> memref<128xi32, #tpu.memory_space<vmem>>
      %dma_wait3A_173 = arith.constant 0 : i32
      %dma_wait3A_174 = arith.constant 0 : i32
      %dma_wait3A_175 = tpu.memref_slice %arg3[%dma_wait3A_173, %dma_wait3A_174] : memref<2000000x64xf32, #tpu.memory_space<hbm>> -> memref<2000000x64xf32, #tpu.memory_space<hbm>>
      tpu.wait_indirect_dma semaphore(%arg16 : memref<!tpu.dma_semaphore, #tpu.memory_space<semaphore_mem>>) src(%dma_wait3A_175 : memref<2000000x64xf32, #tpu.memory_space<hbm>>) dst(%arg11 : memref<128x64xf32, #tpu.memory_space<vmem>>)
      %parallel_loop3A_176 = arith.constant 0 : i32
      %parallel_loop3A_177 = arith.constant 128 : i32
      %parallel_loop3A_178 = arith.constant 1 : i32
      scf.for %parallel_loop3A_186 = %parallel_loop3A_176 to %parallel_loop3A_177 step %parallel_loop3A_178  : i32 {
        %parallel_loop3A_187 = arith.index_cast %parallel_loop3A_186 : i32 to index
        %parallel_loop3A_188 = arith.constant 0 : index
        %parallel_loop3A_189 = tpu.vector_load %arg11[%parallel_loop3A_187, %parallel_loop3A_188] {strides = array<i32>} : memref<128x64xf32, #tpu.memory_space<vmem>>, vector<1x16xf32>,
        %parallel_loop3A_190 = vector.shape_cast %parallel_loop3A_189 : vector<1x16xf32> to vector<16xf32>
        %parallel_loop3A_191 = arith.constant 8.000000e+00 : f32
        %parallel_loop3A_192 = vector.broadcast %parallel_loop3A_191 : f32 to vector<16xf32>
        %parallel_loop3A_193 = arith.mulf %parallel_loop3A_190, %parallel_loop3A_192 : vector<16xf32>
        %parallel_loop3A_194 = arith.index_cast %parallel_loop3A_186 : i32 to index
        %parallel_loop3A_195 = arith.constant 0 : index
        %parallel_loop3A_196 = tpu.vector_load %arg11[%parallel_loop3A_194, %parallel_loop3A_195] {strides = array<i32>} : memref<128x64xf32, #tpu.memory_space<vmem>>, vector<1x16xf32>,
        %parallel_loop3A_197 = vector.shape_cast %parallel_loop3A_196 : vector<1x16xf32> to vector<16xf32>
        %parallel_loop3A_198 = vector.shape_cast %parallel_loop3A_193 : vector<16xf32> to vector<1x16xf32>
        tpu.vector_store %arg11[%parallel_loop3A_194, %parallel_loop3A_195], %parallel_loop3A_198 {strides = array<i32>} : memref<128x64xf32, #tpu.memory_space<vmem>>, vector<1x16xf32>,
        %parallel_loop3A_199 = arith.index_cast %parallel_loop3A_186 : i32 to index
        %parallel_loop3A_200 = arith.constant 16 : index
        %parallel_loop3A_201 = tpu.vector_load %arg11[%parallel_loop3A_199, %parallel_loop3A_200] {strides = array<i32>} : memref<128x64xf32, #tpu.memory_space<vmem>>, vector<1x16xf32>,
        %parallel_loop3A_202 = vector.shape_cast %parallel_loop3A_201 : vector<1x16xf32> to vector<16xf32>
        %parallel_loop3A_203 = arith.constant 8.000000e+00 : f32
        %parallel_loop3A_204 = vector.broadcast %parallel_loop3A_203 : f32 to vector<16xf32>
        %parallel_loop3A_205 = arith.mulf %parallel_loop3A_202, %parallel_loop3A_204 : vector<16xf32>
        %parallel_loop3A_206 = arith.index_cast %parallel_loop3A_186 : i32 to index
        %parallel_loop3A_207 = arith.constant 16 : index
        %parallel_loop3A_208 = tpu.vector_load %arg11[%parallel_loop3A_206, %parallel_loop3A_207] {strides = array<i32>} : memref<128x64xf32, #tpu.memory_space<vmem>>, vector<1x16xf32>,
        %parallel_loop3A_209 = vector.shape_cast %parallel_loop3A_208 : vector<1x16xf32> to vector<16xf32>
        %parallel_loop3A_210 = vector.shape_cast %parallel_loop3A_205 : vector<16xf32> to vector<1x16xf32>
        tpu.vector_store %arg11[%parallel_loop3A_206, %parallel_loop3A_207], %parallel_loop3A_210 {strides = array<i32>} : memref<128x64xf32, #tpu.memory_space<vmem>>, vector<1x16xf32>,
        %parallel_loop3A_211 = arith.index_cast %parallel_loop3A_186 : i32 to index
        %parallel_loop3A_212 = arith.constant 32 : index
        %parallel_loop3A_213 = tpu.vector_load %arg11[%parallel_loop3A_211, %parallel_loop3A_212] {strides = array<i32>} : memref<128x64xf32, #tpu.memory_space<vmem>>, vector<1x16xf32>,
        %parallel_loop3A_214 = vector.shape_cast %parallel_loop3A_213 : vector<1x16xf32> to vector<16xf32>
        %parallel_loop3A_215 = arith.constant 8.000000e+00 : f32
        %parallel_loop3A_216 = vector.broadcast %parallel_loop3A_215 : f32 to vector<16xf32>
        %parallel_loop3A_217 = arith.mulf %parallel_loop3A_214, %parallel_loop3A_216 : vector<16xf32>
        %parallel_loop3A_218 = arith.index_cast %parallel_loop3A_186 : i32 to index
        %parallel_loop3A_219 = arith.constant 32 : index
        %parallel_loop3A_220 = tpu.vector_load %arg11[%parallel_loop3A_218, %parallel_loop3A_219] {strides = array<i32>} : memref<128x64xf32, #tpu.memory_space<vmem>>, vector<1x16xf32>,
        %parallel_loop3A_221 = vector.shape_cast %parallel_loop3A_220 : vector<1x16xf32> to vector<16xf32>
        %parallel_loop3A_222 = vector.shape_cast %parallel_loop3A_217 : vector<16xf32> to vector<1x16xf32>
        tpu.vector_store %arg11[%parallel_loop3A_218, %parallel_loop3A_219], %parallel_loop3A_222 {strides = array<i32>} : memref<128x64xf32, #tpu.memory_space<vmem>>, vector<1x16xf32>,
        %parallel_loop3A_223 = arith.index_cast %parallel_loop3A_186 : i32 to index
        %parallel_loop3A_224 = arith.constant 48 : index
        %parallel_loop3A_225 = tpu.vector_load %arg11[%parallel_loop3A_223, %parallel_loop3A_224] {strides = array<i32>} : memref<128x64xf32, #tpu.memory_space<vmem>>, vector<1x16xf32>,
        %parallel_loop3A_226 = vector.shape_cast %parallel_loop3A_225 : vector<1x16xf32> to vector<16xf32>
        %parallel_loop3A_227 = arith.constant 8.000000e+00 : f32
        %parallel_loop3A_228 = vector.broadcast %parallel_loop3A_227 : f32 to vector<16xf32>
        %parallel_loop3A_229 = arith.mulf %parallel_loop3A_226, %parallel_loop3A_228 : vector<16xf32>
        %parallel_loop3A_230 = arith.index_cast %parallel_loop3A_186 : i32 to index
        %parallel_loop3A_231 = arith.constant 48 : index
        %parallel_loop3A_232 = tpu.vector_load %arg11[%parallel_loop3A_230, %parallel_loop3A_231] {strides = array<i32>} : memref<128x64xf32, #tpu.memory_space<vmem>>, vector<1x16xf32>,
        %parallel_loop3A_233 = vector.shape_cast %parallel_loop3A_232 : vector<1x16xf32> to vector<16xf32>
        %parallel_loop3A_234 = vector.shape_cast %parallel_loop3A_229 : vector<16xf32> to vector<1x16xf32>
        tpu.vector_store %arg11[%parallel_loop3A_230, %parallel_loop3A_231], %parallel_loop3A_234 {strides = array<i32>} : memref<128x64xf32, #tpu.memory_space<vmem>>, vector<1x16xf32>,
      } {sc.loop_unroll_factor = 4 : i64, sc.parallel_access}
      %mul3A_179 = arith.constant 128 : i32
      %mul3A_180 = arith.muli %add3A_161, %mul3A_179 : i32
      %add3A_181 = arith.addi %mul3A_2, %mul3A_180 : i32
      %dma_start3A_182 = arith.constant 0 : i32
      %dma_start3A_183 = tpu.memref_slice %arg4[%add3A_181, %dma_start3A_182] : memref<819200x128xf32, #tpu.memory_space<hbm>> -> memref<128x64xf32, #tpu.memory_space<hbm>>
      %dma_start3A_184 = arith.constant 0 : i32
      %dma_start3A_185 = tpu.memref_slice %arg4[%add3A_181, %dma_start3A_184] : memref<819200x128xf32, #tpu.memory_space<hbm>> -> memref<128x64xf32, #tpu.memory_space<hbm>>
      tpu.enqueue_dma source(%arg11 : memref<128x64xf32, #tpu.memory_space<vmem>>) target(%dma_start3A_185 : memref<128x64xf32, #tpu.memory_space<hbm>>) target_semaphore(%arg21 : memref<!tpu.dma_semaphore, #tpu.memory_space<semaphore_mem>>)
    }
    %scan3A_28 = arith.constant 40 : i32
    %dma_wait3A = arith.constant 0 : i32
    %dma_wait3A_29 = tpu.memref_slice %arg4[%mul3A_2, %dma_wait3A] : memref<819200x128xf32, #tpu.memory_space<hbm>> -> memref<128x64xf32, #tpu.memory_space<hbm>>
    %dma_wait3A_30 = arith.constant 0 : i32
    %dma_wait3A_31 = tpu.memref_slice %arg4[%mul3A_2, %dma_wait3A_30] : memref<819200x128xf32, #tpu.memory_space<hbm>> -> memref<128x64xf32, #tpu.memory_space<hbm>>
    tpu.wait_dma2 semaphore(%arg17 : memref<!tpu.dma_semaphore, #tpu.memory_space<semaphore_mem>>) src(%arg7 : memref<128x64xf32, #tpu.memory_space<vmem>>) dst(%dma_wait3A_31 : memref<128x64xf32, #tpu.memory_space<hbm>>)
    %dma_wait3A_32 = arith.constant 0 : i32
    %dma_wait3A_33 = tpu.memref_slice %arg4[%mul3A_2, %dma_wait3A_32] : memref<819200x128xf32, #tpu.memory_space<hbm>> -> memref<128x64xf32, #tpu.memory_space<hbm>>
    %dma_wait3A_34 = arith.constant 0 : i32
    %dma_wait3A_35 = tpu.memref_slice %arg4[%mul3A_2, %dma_wait3A_34] : memref<819200x128xf32, #tpu.memory_space<hbm>> -> memref<128x64xf32, #tpu.memory_space<hbm>>
    tpu.wait_dma2 semaphore(%arg18 : memref<!tpu.dma_semaphore, #tpu.memory_space<semaphore_mem>>) src(%arg8 : memref<128x64xf32, #tpu.memory_space<vmem>>) dst(%dma_wait3A_35 : memref<128x64xf32, #tpu.memory_space<hbm>>)
    %dma_wait3A_36 = arith.constant 0 : i32
    %dma_wait3A_37 = tpu.memref_slice %arg4[%mul3A_2, %dma_wait3A_36] : memref<819200x128xf32, #tpu.memory_space<hbm>> -> memref<128x64xf32, #tpu.memory_space<hbm>>
    %dma_wait3A_38 = arith.constant 0 : i32
    %dma_wait3A_39 = tpu.memref_slice %arg4[%mul3A_2, %dma_wait3A_38] : memref<819200x128xf32, #tpu.memory_space<hbm>> -> memref<128x64xf32, #tpu.memory_space<hbm>>
    tpu.wait_dma2 semaphore(%arg19 : memref<!tpu.dma_semaphore, #tpu.memory_space<semaphore_mem>>) src(%arg9 : memref<128x64xf32, #tpu.memory_space<vmem>>) dst(%dma_wait3A_39 : memref<128x64xf32, #tpu.memory_space<hbm>>)
    %dma_wait3A_40 = arith.constant 0 : i32
    %dma_wait3A_41 = tpu.memref_slice %arg4[%mul3A_2, %dma_wait3A_40] : memref<819200x128xf32, #tpu.memory_space<hbm>> -> memref<128x64xf32, #tpu.memory_space<hbm>>
    %dma_wait3A_42 = arith.constant 0 : i32
    %dma_wait3A_43 = tpu.memref_slice %arg4[%mul3A_2, %dma_wait3A_42] : memref<819200x128xf32, #tpu.memory_space<hbm>> -> memref<128x64xf32, #tpu.memory_space<hbm>>
    tpu.wait_dma2 semaphore(%arg20 : memref<!tpu.dma_semaphore, #tpu.memory_space<semaphore_mem>>) src(%arg10 : memref<128x64xf32, #tpu.memory_space<vmem>>) dst(%dma_wait3A_43 : memref<128x64xf32, #tpu.memory_space<hbm>>)
    %dma_wait3A_44 = arith.constant 0 : i32
    %dma_wait3A_45 = tpu.memref_slice %arg4[%mul3A_2, %dma_wait3A_44] : memref<819200x128xf32, #tpu.memory_space<hbm>> -> memref<128x64xf32, #tpu.memory_space<hbm>>
    %dma_wait3A_46 = arith.constant 0 : i32
    %dma_wait3A_47 = tpu.memref_slice %arg4[%mul3A_2, %dma_wait3A_46] : memref<819200x128xf32, #tpu.memory_space<hbm>> -> memref<128x64xf32, #tpu.memory_space<hbm>>
    tpu.wait_dma2 semaphore(%arg21 : memref<!tpu.dma_semaphore, #tpu.memory_space<semaphore_mem>>) src(%arg11 : memref<128x64xf32, #tpu.memory_space<vmem>>) dst(%dma_wait3A_47 : memref<128x64xf32, #tpu.memory_space<hbm>>)
    return
  }
}

</mosaic_0001>

<sc_bundles>
// kernel: kernel.3.cloned.1.call-start
scs
__scs_entry_jumppad:
0x0: {  	(pc) =	sbr.rel $0x88, $3  }
0x1: {  	(tag) =	ssettag $0x0;
	lr =	simm.s32 $0x1  }
0x2: {  	[smem:$0x3F9F] =	sst lr;
	_ =	strace $0xD0000000  }
0x3: {  	_ = 	snop  }
0x4: {  	_ = 	snop  }
0x5: {  	_ = 	snop  }
0x6: {  	_ = 	snop  }
0x7: {  	_ = 	snop  }
__scs_overlays_trampoline_lowered:
0x8: {  	[smem:$0x3FAE] =	sst s0  }
0x9: {  	[smem:$0x3FAF] =	sst s1  }
0xa: {  	[smem:$0x3FB0] =	sst s2  }
0xb: {  	[smem:$0x3FB1] =	sst s3  }
0xc: {  	[smem:$0x3FB2] =	sst s4  }
0xd: {  	[smem:$0x3FB3] =	sst s5  }
0xe: {  	[smem:$0x3FB4] =	sst s6  }
0xf: {  	[smem:$0x3FB5] =	sst s7  }
0x10: {  	[smem:$0x3FB6] =	sst s8  }
0x11: {  	[smem:$0x3FB7] =	sst s9;
	s0 =	simm.s32 @!p0 $0x0  }
0x12: {  	s1 =	sld [smem:$0x3F9D];
	s0 =	simm.s32 @p0 $0x1  }
0x13: {  	[smem:$0x3FB8] =	sst s0;
	s0 =	simm.s32 @!p1 $0x0  }
0x14: {  	s2 =	sld [smem:$0x3F9C];
	s0 =	simm.s32 @p1 $0x1  }
0x15: {  	[smem:$0x3FB9] =	sst s0;
	s0 =	simm.s32 @!p2 $0x0  }
0x16: {  	s3 =	sld [smem:$0x3FDB];
	s0 =	simm.s32 @p2 $0x1  }
0x17: {  	s4 =	simm.s32 $0x1BF5;
	[smem:$0x3FBB] =	sst s0  }
0x18: {  	s0 =	sld [smem:$0x3F9E];
	_ =	swait.ge [sflag:s4], $0x0  }
0x19: {  	s7 =	sld [smem:$0x3F9F]  }
0x1a: {  	s8 =	sadd.s32 $0xFFFFE003, lr  }
0x1b: {  	s9 =	sadd.s32 $0xFFFFFEF7, lr;
	s5 =	simm.s32 $0xFFFFFFFF;
	p2 =	slt.u32 s8, $0xFFFFF086  }
0x1c: {  	p1 =	slt.u32 s9, $0xF7A;
	s5 =	simm.s32 @!p2 $0x0  }
0x1d: {  	s5 =	simm.s32 @p1 $0x1;
	p0 =	seq.s32 s7, s2  }
0x1e: {  	s7 =	smul.u32 @!p0 $0xF7A, s2;
	p2 =	seq.s32 @!p0 s5, $0x0  }
0x1f: {  	s9 =	smul.u32 $0xF7A, s1;
	s8 =	simm.s32 @!p0 $0x1BF5;
	p2 =	por !p2, p0  }
0x20: {  	[sflag:s8] =	ssyncset.s32 @!p0 $0xFFFFF086;
	s6 =	sadd.s32 @!p0 s3, s7;
	s7 =	simm.s32 @!p0 $0x108  }
0x21: {  	s3 =	sadd.s32 s3, s9;
	s6 =	sadd.s32 @!p0 $0x88, s6;
	s7 =	simm.s32 @p2 $0x1082  }
0x22: {  	[simem:s7], [sflag:s8] =	dma.local @!p0 [hbm:s6], $0xF7A  }
0x23: {  	s9 =	sor.u32 $0xD0000000, s2;
	s6 =	simm.s32 $0x108;
	_ =	swait.ge @!p0 [sflag:s8], $0x0  }
0x24: {  	s3 =	sadd.s32 $0x88, s3;
	s6 =	simm.s32 @!p1 $0x1082;
	[sflag:s4] =	ssyncset.s32 $0xFFFFF086  }
0x25: {  	[simem:s6], [sflag:s4] =	dma.local [hbm:s3], $0xF7A  }
0x26: {  	[smem:$0x3F9F] =	sst s1;
	(tag) =	ssettag s2;
	_ =	strace s9  }
0x27: {  	s1 =	sld [smem:$0x3FAF]  }
0x28: {  	s2 =	sld [smem:$0x3FB0]  }
0x29: {  	s4 =	sld [smem:$0x3FB2]  }
0x2a: {  	p0 =	seq.s32 s5, $0x0;
	s5 =	sld [smem:$0x3FB3]  }
0x2b: {  	s6 =	sld [smem:$0x3FB4]  }
0x2c: {  	s7 =	sld [smem:$0x3FB5]  }
0x2d: {  	s3 =	simm.s32 $0x108;
	s8 =	sld [smem:$0x3FB6]  }
0x2e: {  	s3 =	simm.s32 @!p0 $0x1082;
	s9 =	sld [smem:$0x3FB7]  }
0x2f: {  	lr =	sadd.s32 s0, s3;
	s0 =	sld [smem:$0x3FAE]  }
0x30: {  	s3 =	sld [smem:$0x3FB1]  }
0x31: {  	[smem:$0x3FBA] =	sst s10  }
0x32: {  	s10 =	sld [smem:$0x3FB8];
	_ =	sdelay $0x3  }
0x33: {  	p0 =	seq.s32 s10, $0x1;
	s10 =	sld [smem:$0x3FBA];
	_ =	sdelay $0x3  }
0x34: {  	[smem:$0x3FBA] =	sst s10  }
0x35: {  	s10 =	sld [smem:$0x3FB9];
	_ =	sdelay $0x3  }
0x36: {  	p1 =	seq.s32 s10, $0x1;
	s10 =	sld [smem:$0x3FBA];
	_ =	sdelay $0x3  }
0x37: {  	[smem:$0x3FBA] =	sst s10  }
0x38: {  	s10 =	sld [smem:$0x3FBB]  }
0x39: {  	_ = 	snop;
	(pc) =	sbr.ind lr, $3  }
0x3a: {  	_ = 	snop  }
0x3b: {  	_ = 	snop  }
0x3c: {  	p2 =	seq.s32 s10, $0x1;
	s10 =	sld [smem:$0x3FBA]  }
0x3d: {  	_ =	shalt  }
0x3e: {  	_ =	shalt  }
0x3f: {  	_ =	shalt  }
0x40: {  	_ =	shalt  }
0x41: {  	_ =	shalt  }
0x42: {  	_ =	shalt  }
0x43: {  	_ =	shalt  }
0x44: {  	_ =	shalt  }
0x45: {  	_ =	shalt  }
0x46: {  	_ =	shalt  }
0x47: {  	_ =	shalt  }
0x48: {  	_ =	shalt  }
0x49: {  	_ =	shalt  }
0x4a: {  	_ =	shalt  }
0x4b: {  	_ =	shalt  }
0x4c: {  	_ =	shalt  }
0x4d: {  	_ =	shalt  }
0x4e: {  	_ =	shalt  }
0x4f: {  	_ =	shalt  }
0x50: {  	_ =	shalt  }
0x51: {  	_ =	shalt  }
0x52: {  	_ =	shalt  }
0x53: {  	_ =	shalt  }
0x54: {  	_ =	shalt  }
0x55: {  	_ =	shalt  }
0x56: {  	_ =	shalt  }
0x57: {  	_ =	shalt  }
0x58: {  	_ =	shalt  }
0x59: {  	_ =	shalt  }
0x5a: {  	_ =	shalt  }
0x5b: {  	_ =	shalt  }
0x5c: {  	_ =	shalt  }
0x5d: {  	_ =	shalt  }
0x5e: {  	_ =	shalt  }
0x5f: {  	_ =	shalt  }
0x60: {  	_ =	shalt  }
0x61: {  	_ =	shalt  }
0x62: {  	_ =	shalt  }
0x63: {  	_ =	shalt  }
0x64: {  	_ =	shalt  }
0x65: {  	_ =	shalt  }
0x66: {  	_ =	shalt  }
0x67: {  	_ =	shalt  }
0x68: {  	_ =	shalt  }
0x69: {  	_ =	shalt  }
0x6a: {  	_ =	shalt  }
0x6b: {  	_ =	shalt  }
0x6c: {  	_ =	shalt  }
0x6d: {  	_ =	shalt  }
0x6e: {  	_ =	shalt  }
0x6f: {  	_ =	shalt  }
0x70: {  	_ =	shalt  }
0x71: {  	_ =	shalt  }
0x72: {  	_ =	shalt  }
0x73: {  	_ =	shalt  }
0x74: {  	_ =	shalt  }
0x75: {  	_ =	shalt  }
0x76: {  	_ =	shalt  }
0x77: {  	_ =	shalt  }
0x78: {  	_ =	shalt  }
0x79: {  	_ =	shalt  }
0x7a: {  	_ =	shalt  }
0x7b: {  	_ =	shalt  }
0x7c: {  	_ =	shalt  }
0x7d: {  	_ =	shalt  }
0x7e: {  	_ =	shalt  }
0x7f: {  	_ =	shalt  }
0x80: {  	_ =	shalt  }
0x81: {  	_ =	shalt  }
0x82: {  	_ =	shalt  }
0x83: {  	_ =	shalt  }
0x84: {  	_ =	shalt  }
0x85: {  	_ =	shalt  }
0x86: {  	_ =	shalt  }
0x87: {  	_ =	shalt  }
.Lfunc_end0:
.L_simem_size_0:
called_computation.2_lowered:
.L_overlay_start_0:
0x88: {  	s2 =	sld [smem:$0x3FD9]  }
0x89: {  	s3 =	sld [smem:$0x3FFE];
	_ =	sdelay $0x1  }
0x8a: {  	s1 =	srdreg.scid  }
0x8b: {  	s0 =	sand.u32 $0x1, s1  }
0x8c: {  	s17 =	sshll.u32 s0, $0xA;
	s2 =	sadd.s32 s3, s2  }
0x8d: {  	s2 =	sadd.s32 s2, s17  }
0x8e: {  	[smem:$0x3FC6] =	sst s2  }
0x8f: {  	_ = 	snop  }
0x90: {  	s2 =	sld [smem:$0x3FD0];
	(tm) =	ssettm $0x1  }
0x91: {  	s18 =	sld [smem:$0x3FFB];
	_ =	sdelay $0x3  }
0x92: {  	_ =	strace s18  }
0x93: {  	s3 =	sld [smem:$0x3FFC];
	_ =	sdelay $0x3  }
0x94: {  	_ =	strace s3  }
0x95: {  	s3 =	sld [smem:$0x3FFD];
	_ =	sdelay $0x3  }
0x96: {  	_ =	strace s3  }
0x97: {  	_ =	strace $0x8FFFFFFF  }
0x98: {  	s19 =	sld [smem:$0x3FDB];
	_ =	sdelay $0x1  }
0x99: {  	s4 =	simm.s32 $_scs_section_size  }
0x9a: {  	s5 =	simm.s32 $_size__tile_overlayer_lowered;
	s6 =	simm.s32 $_tile_overlayer_lowered  }
0x9b: {  	s22 =	simm.s32 $0x1BFF;
	s21 =	sshll.u32 s6, $0x1;
	s3 =	sadd.s32 s4, s19  }
0x9c: {  	s7 =	simm.s32 $0x0;
	s20 =	sshll.u32 s5, $0x1;
	s5 =	sadd.s32 s21, s3  }
0x9d: {  	[timem:s7], [sflag:s22] =	dma.local [hbm:s5], s20  }
0x9e: {  	_ =	swait.ge [sflag:s22], s20  }
0x9f: {  	s4 =	ssub.s32 $0x0, s20;
	[sflag:s22] =	ssyncset.done $0x0  }
0xa0: {  	[sflag:s22] =	ssyncadd.s32 s4;
	_ =	sdelay $0x1  }
0xa1: {  	s23 =	simm.s32 $0x1B8B  }
0xa2: {  	_ =	swait.ge [sflag:s23], $0x1  }
0xa3: {  	[sflag:s23] =	ssyncset.done $0x0  }
0xa4: {  	s25 =	simm.s32 $0x1B8E;
	s24 =	sld [smem:$0x3FFE];
	[sflag:s23] =	ssyncadd.s32 $0xFFFFFFFF  }
0xa5: {  	s26 =	simm.s32 $execute0_lowered;
	[smem:$0x3FD2] =	sst s25  }
0xa6: {  	s5 =	sshll.u32 s26, $0x1;
	_ =	strace $0x80000049;
	[dreg:$0x1] =	wrdreg $0xFFFFFFFF  }
0xa7: {  	s28 =	simm.s32 $_size_execute0_lowered;
	s3 =	sadd.s32 s3, s5;
	[dreg:$0x0] =	wrdreg $0x0  }
0xa8: {  	s5 =	sshll.u32 s28, $0x1;
	[dreg:$0x2] =	wrdreg s3  }
0xa9: {  	[dreg:$0x3] =	wrdreg s5  }
0xaa: {  	[dreg:$0x4] =	wrdreg $0xC0  }
0xab: {  	_ =	task [dreg:s7], $0x5FFFF  }
0xac: {  	[dreg:$0x1] =	wrdreg $0xFFFFFFFF  }
0xad: {  	[dreg:$0x0] =	wrdreg $0x60  }
0xae: {  	[dreg:$0x2] =	wrdreg s2  }
0xaf: {  	[dreg:$0x3] =	wrdreg s24  }
0xb0: {  	[dreg:$0x4] =	wrdreg $0x9  }
0xb1: {  	_ =	task.clear_ibuf [dreg:s7], $0x5FFFF;
	_ =	strace $0x90000049  }
0xb2: {  	s29 =	simm.s32 $0x9;
	_ =	strace $0x8000004B  }
0xb3: {  	_ =	swait.ge [sflag:s29], $0x1  }
0xb4: {  	[sflag:s29] =	ssyncadd.s32 $0xFFFFFFFF  }
0xb5: {  	_ =	strace $0x9000004B  }
0xb6: {  	_ =	sfence  }
0xb7: {  	s30 =	sld [smem:$0x0];
	_ =	sdelay $0x2  }
0xb8: {  	s31 =	sshll.u32 s1, $0xD;
	s1 =	sshrl.u32 s1, $0x2  }
0xb9: {  	s3 =	sand.u32 $0x4000, s31;
	s1 =	sadd.s32 s1, s30  }
0xba: {  	s0 =	sor.u32 s3, s0;
	s1 =	sshll.u32 s1, $0x11  }
0xbb: {  	s0 =	sor.u32 s1, s0  }
0xbc: {  	s0 =	sadd.s32 $0x8F2B, s0  }
0xbd: {  	[sflag:s0] =	ssyncadd.remote.s32 $0x1  }
0xbe: {  	_ =	sfence.sel $0xFFFF  }
0xbf: {  	[dreg:$0x0] =	wrdreg $0xFFFFFFFF;
	(pc) =	sbr.abs _section_cstart, $3  }
0xc0: {  	[dreg:$0x1] =	wrdreg $0xFFFFFFFF  }
0xc1: {  	_ =	task.clear_ibuf [dreg:s7], $0x2FFFF;
	_ =	strace $0x9FFFFFFF  }
0xc2: {  	(tm) =	ssettm $0x7FFFFFFF  }
0xc3: {  	_ =	shalt  }
tec
execute0_lowered:
.L_overlay_start_1:
0x0: {  	(tag) =	ssettag $0x1  }
0x1: {  	s0 =	rddreg [dreg:$0x0]  }
0x2: {  	s1 =	rddreg [dreg:$0x1]  }
0x3: {  	s2 =	srdreg.scid;
	s3 =	stileid.u32;
	s4 =	simm.s32 $0x0  }
0x4: {  	s12 =	simm.s32 $0x80;
	s14 =	simm.s32 $0xC800;
	s15 =	simm.s32 $0x6480  }
0x5: {  	s16 =	simm.s32 $0xE800;
	s18 =	simm.s32 $0x10800;
	s19 =	simm.s32 $0x12800  }
0x6: {  	s20 =	simm.s32 $0x1;
	s21 =	simm.s32 $0x40;
	s22 =	simm.s32 $0x14800  }
0x7: {  	s23 =	simm.s32 $0x2;
	s24 =	simm.s32 $0x3;
	s25 =	simm.s32 $0x4  }
0x8: {  	s26 =	simm.s32 $0x5;
	s2 =	sand.u32 $0x1, s2;
	s3 =	sshll.u32 s3, $0x1  }
0x9: {  	[smem:$0x7FF] =	sst s4;
	s5 =	sor.u32 s2, s3;
	s2 =	ssub.s32 $0x2, s2  }
0xa: {  	s4 =	sadd.s32 $0xF43200, s1;
	s3 =	smul.u32 $0x6400, s5;
	s30 =	sshrl.u32 s2, $0x1  }
0xb: {  	s6 =	sadd.s32 $0xE00, s1;
	s5 =	smul.u32 $0x320000, s5;
	s1 =	ssub.s32 s2, s30  }
0xc: {  	_ =	strace $0x8000004A;
	s7 =	sshrl.u32 s3, $0x3;
	s31 =	smax.u32 s1, $0x1  }
0xd: {  	s8 =	sor.u32 $0x4000, s5;
	s0 =	sadd.s32 s0, s7;
	[dreg:$0x4] =	wrdreg s31  }
0xe: {  	s9 =	sor.u32 $0x100, s3;
	s1 =	simm.s32 $0x0;
	[dreg:$0x3] =	wrdreg s0  }
.LBB2_1:
0xf: {  	s0 =	simm.s32 $0x0;
	s2 =	rddreg [dreg:$0x3];
	s17 =	simm.s32 $0xB  }
0x10: {  	[tilespmem:s0], [sflag:$0xB] =	stream.linear.gather [hbm4b:s2+s0], $0x6400, $0x38;
	[tilespmem:$0x16800] =	vst v63  }
0x11: {  	_ =	swait.ge [sflag:s17], $0x6400  }
0x12: {  	[sflag:s17] =	ssyncset.done $0x0  }
0x13: {  	[sflag:s17] =	ssyncadd.s32 $0xFFFF9C00  }
0x14: {  	v0 =	vld [tilespmem:s12+$0x0];
	_ =	sdelay $0x4  }
0x15: {  	v0 =	vshll.u32 v0, $0x1  }
0x16: {  	[tilespmem:s15+$0x0] =	vst v0  }
0x17: {  	v0 =	vld [tilespmem:s12+$0x10];
	_ =	sdelay $0x3  }
0x18: {  	v1 =	vld [tilespmem:s12+$0xFFFFFF80]  }
0x19: {  	v0 =	vshll.u32 v0, $0x1  }
0x1a: {  	[tilespmem:s15+$0x10] =	vst v0  }
0x1b: {  	s7 =	simm.s32 $0x180;
	v0 =	vld [tilespmem:s12+$0x20]  }
0x1c: {  	v2 =	vld [tilespmem:s7+$0x0]  }
0x1d: {  	v1 =	vshll.u32 v1, $0x1  }
0x1e: {  	[tilespmem:s15+$0xFFFFFF80] =	vst v1  }
0x1f: {  	v1 =	vld [tilespmem:s12+$0xFFFFFF90]  }
0x20: {  	v0 =	vshll.u32 v0, $0x1  }
0x21: {  	s2 =	simm.s32 $0x6580;
	[tilespmem:s15+$0x20] =	vst v0;
	v0 =	vshll.u32 v2, $0x1  }
0x22: {  	v2 =	vld [tilespmem:s12+$0x30];
	[tilespmem:s2+$0x0] =	vst v0  }
0x23: {  	v0 =	vld [tilespmem:s7+$0x10]  }
0x24: {  	v3 =	vld [tilespmem:s7+$0xFFFFFF80];
	v1 =	vshll.u32 v1, $0x1  }
0x25: {  	[tilespmem:s15+$0xFFFFFF90] =	vst v1  }
0x26: {  	v1 =	vld [tilespmem:s12+$0xFFFFFFA0]  }
0x27: {  	v2 =	vshll.u32 v2, $0x1  }
0x28: {  	[tilespmem:s15+$0x30] =	vst v2;
	v0 =	vshll.u32 v0, $0x1  }
0x29: {  	v3 =	vshll.u32 v3, $0x1;
	v2 =	vld [tilespmem:s12+$0x40];
	[tilespmem:s2+$0x10] =	vst v0  }
0x2a: {  	[tilespmem:s2+$0xFFFFFF80] =	vst v3;
	v0 =	vld [tilespmem:s7+$0x20]  }
0x2b: {  	s10 =	simm.s32 $0x280;
	v3 =	vld [tilespmem:s7+$0xFFFFFF90];
	v1 =	vshll.u32 v1, $0x1  }
0x2c: {  	[tilespmem:s15+$0xFFFFFFA0] =	vst v1;
	v1 =	vld [tilespmem:s10+$0x0]  }
0x2d: {  	v4 =	vld [tilespmem:s12+$0xFFFFFFB0]  }
0x2e: {  	v2 =	vshll.u32 v2, $0x1  }
0x2f: {  	v5 =	vld [tilespmem:s10+$0xFFFFFF80];
	[tilespmem:s15+$0x40] =	vst v2;
	v0 =	vshll.u32 v0, $0x1  }
0x30: {  	v3 =	vshll.u32 v3, $0x1;
	v2 =	vld [tilespmem:s12+$0x50];
	[tilespmem:s2+$0x20] =	vst v0  }
0x31: {  	s13 =	simm.s32 $0x6680;
	[tilespmem:s2+$0xFFFFFF90] =	vst v3;
	v0 =	vshll.u32 v1, $0x1;
	v1 =	vld [tilespmem:s7+$0x30]  }
0x32: {  	v3 =	vshll.u32 v4, $0x1;
	v4 =	vld [tilespmem:s7+$0xFFFFFFA0];
	[tilespmem:s13+$0x0] =	vst v0  }
0x33: {  	[tilespmem:s15+$0xFFFFFFB0] =	vst v3;
	v0 =	vld [tilespmem:s10+$0x10]  }
0x34: {  	v5 =	vshll.u32 v5, $0x1;
	v3 =	vld [tilespmem:s12+$0xFFFFFFC0]  }
0x35: {  	[tilespmem:s13+$0xFFFFFF80] =	vst v5;
	v2 =	vshll.u32 v2, $0x1  }
0x36: {  	v5 =	vld [tilespmem:s10+$0xFFFFFF90];
	[tilespmem:s15+$0x50] =	vst v2;
	v1 =	vshll.u32 v1, $0x1  }
0x37: {  	v4 =	vshll.u32 v4, $0x1;
	v2 =	vld [tilespmem:s12+$0x60];
	[tilespmem:s2+$0x30] =	vst v1  }
0x38: {  	[tilespmem:s2+$0xFFFFFFA0] =	vst v4;
	v0 =	vshll.u32 v0, $0x1;
	v1 =	vld [tilespmem:s7+$0x40]  }
0x39: {  	v4 =	vld [tilespmem:s7+$0xFFFFFFB0];
	v3 =	vshll.u32 v3, $0x1;
	[tilespmem:s13+$0x10] =	vst v0  }
0x3a: {  	[tilespmem:s15+$0xFFFFFFC0] =	vst v3;
	v0 =	vld [tilespmem:s10+$0x20]  }
0x3b: {  	s17 =	simm.s32 $0x380;
	v5 =	vshll.u32 v5, $0x1;
	v3 =	vld [tilespmem:s12+$0xFFFFFFD0]  }
0x3c: {  	v6 =	vld [tilespmem:s17+$0x0];
	[tilespmem:s13+$0xFFFFFF90] =	vst v5;
	v2 =	vshll.u32 v2, $0x1  }
0x3d: {  	v5 =	vld [tilespmem:s17+$0xFFFFFF80];
	[tilespmem:s15+$0x60] =	vst v2;
	v1 =	vshll.u32 v1, $0x1  }
0x3e: {  	v4 =	vshll.u32 v4, $0x1;
	v2 =	vld [tilespmem:s12+$0x70];
	[tilespmem:s2+$0x40] =	vst v1  }
0x3f: {  	[tilespmem:s2+$0xFFFFFFB0] =	vst v4;
	v0 =	vshll.u32 v0, $0x1;
	v1 =	vld [tilespmem:s7+$0x50]  }
0x40: {  	v4 =	vld [tilespmem:s10+$0xFFFFFFA0];
	v3 =	vshll.u32 v3, $0x1;
	[tilespmem:s13+$0x20] =	vst v0  }
0x41: {  	s29 =	simm.s32 $0x6780;
	[tilespmem:s15+$0xFFFFFFD0] =	vst v3;
	v0 =	vshll.u32 v6, $0x1;
	v3 =	vld [tilespmem:s10+$0x30]  }
0x42: {  	v5 =	vshll.u32 v5, $0x1;
	[tilespmem:s29+$0x0] =	vst v0;
	v0 =	vld [tilespmem:s7+$0xFFFFFFC0]  }
0x43: {  	[tilespmem:s29+$0xFFFFFF80] =	vst v5;
	v6 =	vld [tilespmem:s17+$0x10];
	v2 =	vshll.u32 v2, $0x1  }
0x44: {  	v5 =	vld [tilespmem:s12+$0xFFFFFFE0];
	[tilespmem:s15+$0x70] =	vst v2;
	v1 =	vshll.u32 v1, $0x1  }
0x45: {  	v7 =	vld [tilespmem:s17+$0xFFFFFF90];
	v2 =	vshll.u32 v4, $0x1;
	[tilespmem:s2+$0x50] =	vst v1  }
0x46: {  	[tilespmem:s13+$0xFFFFFFA0] =	vst v2;
	v1 =	vshll.u32 v3, $0x1;
	v3 =	vld [tilespmem:s7+$0x60]  }
0x47: {  	v0 =	vshll.u32 v0, $0x1;
	v4 =	vld [tilespmem:s10+$0xFFFFFFB0];
	[tilespmem:s13+$0x30] =	vst v1  }
0x48: {  	v1 =	vshll.u32 v6, $0x1;
	[tilespmem:s2+$0xFFFFFFC0] =	vst v0;
	v2 =	vld [tilespmem:s10+$0x40]  }
0x49: {  	v0 =	vshll.u32 v5, $0x1;
	[tilespmem:s29+$0x10] =	vst v1;
	v1 =	vld [tilespmem:s7+$0xFFFFFFD0]  }
0x4a: {  	s30 =	simm.s32 $0x6;
	v6 =	vshll.u32 v7, $0x1;
	[tilespmem:s15+$0xFFFFFFE0] =	vst v0;
	v5 =	vld [tilespmem:s17+$0x20]  }
0x4b: {  	s31 =	simm.s32 $0x480;
	s28 =	simm.s32 $0x6480;
	s11 =	simm.s32 $0x6780;
	[tilespmem:s29+$0xFFFFFF90] =	vst v6;
	v0 =	vld [tilespmem:s12+$0xFFFFFFF0];
	v3 =	vshll.u32 v3, $0x1  }
.LBB2_2:
0x4c: {  	v6 =	vld [tilespmem:s31+$0x0];
	s30 =	sadd.s32 $0x2, s30;
	v4 =	vshll.u32 v4, $0x1;
	[tilespmem:s2+$0x60] =	vst v3;
	s0 =	smov.u32 s17;
	s17 =	smov.u32 s31  }
0x4d: {  	p0 =	slt.u32 s30, $0xC6;
	[tilespmem:s13+$0xFFFFFFB0] =	vst v4;
	v2 =	vshll.u32 v2, $0x1;
	v3 =	vld [tilespmem:s7+$0x70]  }
0x4e: {  	v4 =	vld [tilespmem:s31+$0xFFFFFF80];
	[tilespmem:s13+$0x40] =	vst v2;
	v1 =	vshll.u32 v1, $0x1  }
0x4f: {  	v2 =	vshll.u32 v5, $0x1;
	v5 =	vld [tilespmem:s10+$0x50];
	[tilespmem:s2+$0xFFFFFFD0] =	vst v1  }
0x50: {  	v1 =	vld [tilespmem:s0+$0xFFFFFFA0];
	[tilespmem:s29+$0x20] =	vst v2;
	v0 =	vshll.u32 v0, $0x1  }
0x51: {  	s29 =	sadd.s32 $0x100, s29;
	v2 =	vshll.u32 v6, $0x1;
	v6 =	vld [tilespmem:s0+$0x30];
	[tilespmem:s28+$0xFFFFFFF0] =	vst v0;
	s28 =	smov.u32 s2;
	s2 =	smov.u32 s13  }
0x52: {  	s13 =	smov.u32 s11;
	s11 =	smov.u32 s29;
	[tilespmem:s29+$0x0] =	vst v2;
	v0 =	vld [tilespmem:s10+$0xFFFFFFC0];
	v2 =	vshll.u32 v3, $0x1  }
0x53: {  	v3 =	vshll.u32 v4, $0x1;
	v7 =	vld [tilespmem:s31+$0x10];
	[tilespmem:s28+$0x70] =	vst v2  }
0x54: {  	[tilespmem:s29+$0xFFFFFF80] =	vst v3;
	v2 =	vshll.u32 v5, $0x1;
	v3 =	vld [tilespmem:s7+$0xFFFFFFE0]  }
0x55: {  	v5 =	vld [tilespmem:s31+$0xFFFFFF90];
	v1 =	vshll.u32 v1, $0x1;
	[tilespmem:s2+$0x50] =	vst v2  }
0x56: {  	[tilespmem:s13+$0xFFFFFFA0] =	vst v1;
	v1 =	vshll.u32 v6, $0x1;
	v6 =	vld [tilespmem:s10+$0x60]  }
.Ltmp0:
0x57: {  	v4 =	vld [tilespmem:s0+$0xFFFFFFB0];
	[tilespmem:s13+$0x30] =	vst v1;
	v0 =	vshll.u32 v0, $0x1;
	(pc) =	sbr.rel @p0 .LBB2_2-.Ltmp0, $4  }
0x58: {  	v1 =	vshll.u32 v7, $0x1;
	v2 =	vld [tilespmem:s0+$0x40];
	[tilespmem:s2+$0xFFFFFFC0] =	vst v0  }
0x59: {  	[tilespmem:s29+$0x10] =	vst v1;
	v1 =	vld [tilespmem:s10+$0xFFFFFFD0];
	v0 =	vshll.u32 v3, $0x1  }
0x5a: {  	v3 =	vshll.u32 v5, $0x1;
	v5 =	vld [tilespmem:s31+$0x20];
	[tilespmem:s28+$0xFFFFFFE0] =	vst v0  }
0x5b: {  	s31 =	sadd.s32 $0x100, s31;
	[tilespmem:s29+$0xFFFFFF90] =	vst v3;
	v3 =	vshll.u32 v6, $0x1;
	v0 =	vld [tilespmem:s7+$0xFFFFFFF0];
	s7 =	smov.u32 s10;
	s10 =	smov.u32 s0  }
0x5c: {  	v6 =	vld [tilespmem:s17+$0xFFFFFFA0];
	_ =	sdelay $0x3  }
0x5d: {  	v5 =	vshll.u32 v5, $0x1  }
0x5e: {  	[tilespmem:s29+$0x20] =	vst v5;
	v31 =	vshll.u32 v6, $0x1  }
0x5f: {  	v32 =	vld [tilespmem:s17+$0x30];
	[tilespmem:s11+$0xFFFFFFA0] =	vst v31  }
0x60: {  	v5 =	vld [tilespmem:s17+$0xFFFFFFB0];
	_ =	sdelay $0x2  }
0x61: {  	v4 =	vshll.u32 v4, $0x1  }
0x62: {  	[tilespmem:s13+$0xFFFFFFB0] =	vst v4;
	v33 =	vshll.u32 v32, $0x1  }
0x63: {  	v34 =	vld [tilespmem:s10+$0xFFFFFFC0];
	[tilespmem:s11+$0x30] =	vst v33;
	v35 =	vshll.u32 v5, $0x1  }
0x64: {  	v36 =	vld [tilespmem:s17+$0x40];
	[tilespmem:s11+$0xFFFFFFB0] =	vst v35  }
0x65: {  	v4 =	vld [tilespmem:s17+$0xFFFFFFC0];
	_ =	sdelay $0x1  }
0x66: {  	v2 =	vshll.u32 v2, $0x1  }
0x67: {  	[tilespmem:s13+$0x40] =	vst v2;
	v37 =	vshll.u32 v34, $0x1  }
0x68: {  	v38 =	vld [tilespmem:s10+$0x50];
	[tilespmem:s13+$0xFFFFFFC0] =	vst v37;
	v39 =	vshll.u32 v36, $0x1  }
0x69: {  	v40 =	vld [tilespmem:s10+$0xFFFFFFD0];
	[tilespmem:s11+$0x40] =	vst v39;
	v41 =	vshll.u32 v4, $0x1  }
0x6a: {  	v42 =	vld [tilespmem:s17+$0x50];
	[tilespmem:s11+$0xFFFFFFC0] =	vst v41  }
0x6b: {  	v2 =	vld [tilespmem:s17+$0xFFFFFFD0]  }
0x6c: {  	v1 =	vshll.u32 v1, $0x1  }
0x6d: {  	[tilespmem:s2+$0xFFFFFFD0] =	vst v1;
	v43 =	vshll.u32 v38, $0x1  }
0x6e: {  	v44 =	vld [tilespmem:s7+$0xFFFFFFE0];
	[tilespmem:s13+$0x50] =	vst v43;
	v45 =	vshll.u32 v40, $0x1  }
0x6f: {  	v46 =	vld [tilespmem:s10+$0x60];
	[tilespmem:s13+$0xFFFFFFD0] =	vst v45;
	v47 =	vshll.u32 v42, $0x1  }
0x70: {  	v48 =	vld [tilespmem:s10+$0xFFFFFFE0];
	[tilespmem:s11+$0x50] =	vst v47;
	v49 =	vshll.u32 v2, $0x1  }
0x71: {  	v50 =	vld [tilespmem:s17+$0x60];
	[tilespmem:s11+$0xFFFFFFD0] =	vst v49  }
0x72: {  	v1 =	vld [tilespmem:s17+$0xFFFFFFE0]  }
0x73: {  	[tilespmem:s2+$0x60] =	vst v3;
	v51 =	vshll.u32 v44, $0x1  }
0x74: {  	v52 =	vld [tilespmem:s7+$0x70];
	[tilespmem:s2+$0xFFFFFFE0] =	vst v51;
	v5 =	vshll.u32 v46, $0x1  }
0x75: {  	v53 =	vld [tilespmem:s7+$0xFFFFFFF0];
	[tilespmem:s13+$0x60] =	vst v5;
	v4 =	vshll.u32 v48, $0x1  }
0x76: {  	v54 =	vld [tilespmem:s10+$0x70];
	[tilespmem:s13+$0xFFFFFFE0] =	vst v4;
	v2 =	vshll.u32 v50, $0x1  }
0x77: {  	v55 =	vld [tilespmem:s10+$0xFFFFFFF0];
	[tilespmem:s11+$0x60] =	vst v2;
	v1 =	vshll.u32 v1, $0x1  }
0x78: {  	v0 =	vshll.u32 v0, $0x1;
	v56 =	vld [tilespmem:s17+$0x70];
	[tilespmem:s11+$0xFFFFFFE0] =	vst v1  }
0x79: {  	[tilespmem:s28+$0xFFFFFFF0] =	vst v0;
	v57 =	vshll.u32 v52, $0x1;
	v58 =	vld [tilespmem:s17+$0xFFFFFFF0]  }
0x7a: {  	[tilespmem:s2+$0x70] =	vst v57;
	v59 =	vshll.u32 v53, $0x1  }
0x7b: {  	[tilespmem:s2+$0xFFFFFFF0] =	vst v59;
	v60 =	vshll.u32 v54, $0x1  }
0x7c: {  	[tilespmem:s13+$0x70] =	vst v60;
	v61 =	vshll.u32 v55, $0x1  }
0x7d: {  	[tilespmem:s13+$0xFFFFFFF0] =	vst v61;
	v62 =	vshll.u32 v56, $0x1  }
0x7e: {  	[tilespmem:s11+$0x70] =	vst v62;
	v63 =	vshll.u32 v58, $0x1  }
0x7f: {  	s0 =	simm.s32 $0x6400;
	[tilespmem:s11+$0xFFFFFFF0] =	vst v63  }
0x80: {  	[tilespmem:s14], [sflag:$0x1] =	stream.indirect.gather [hbm4b:s4+s12], $0x40, s0, s12, $0xb8;
	[tilespmem:$0x16800] =	vst v63  }
0x81: {  	_ = 	snop  }
0x82: {  	[tilespmem:s16], [sflag:$0x2] =	stream.indirect.gather [hbm4b:s4+s12], $0x40, s15, s12, $0xb8;
	[tilespmem:$0x16800] =	vst v63  }
0x83: {  	s31 =	simm.s32 $0x6500;
	s13 =	simm.s32 $0x0  }
0x84: {  	[tilespmem:s18], [sflag:$0x3] =	stream.indirect.gather [hbm4b:s4+s12], $0x40, s31, s12, $0xb8;
	[tilespmem:$0x16800] =	vst v63  }
.LBB2_4:
0x85: {  	s2 =	smul.u32 $0x5, s13  }
0x86: {  	p0 =	seq.s32 s13, $0x0  }
0x87: {  	s0 =	simm.s32 @!p0 $0x9;
	s17 =	sadd.s32 $0x3, s2  }
0x88: {  	_ =	swait.ge @!p0 [sflag:s0], $0x2000;
	s7 =	sshll.u32 s17, $0x7  }
0x89: {  	[sflag:s0] =	ssyncset.done @!p0 $0x0;
	s7 =	sand.u32 $0x3FFFFF80, s7  }
0x8a: {  	[sflag:s0] =	ssyncadd.s32 @!p0 $0xFFFFE000;
	s31 =	sadd.s32 $0x6400, s7  }
0x8b: {  	[tilespmem:s19], [sflag:$0x4] =	stream.indirect.gather [hbm4b:s4+s12], $0x40, s31, s12, $0xb8;
	[tilespmem:$0x16800] =	vst v63  }
0x8c: {  	_ =	swait.ge [sflag:s20], $0x2000  }
0x8d: {  	[sflag:s20] =	ssyncset.done $0x0  }
0x8e: {  	s10 =	simm.s32 $0xC880;
	[sflag:s20] =	ssyncadd.s32 $0xFFFFE000  }
0x8f: {  	v0 =	vld [tilespmem:s10+$0x70]  }
0x90: {  	v1 =	vld [tilespmem:s10+$0xFFFFFF90]  }
0x91: {  	v2 =	vld [tilespmem:s10+$0xFFFFFFA0]  }
0x92: {  	v3 =	vld [tilespmem:s10+$0xFFFFFFB0]  }
0x93: {  	v4 =	vld [tilespmem:s10+$0xFFFFFFC0]  }
0x94: {  	v5 =	vld [tilespmem:s10+$0xFFFFFFD0];
	v0 =	vmul.f32 $8.000000000e+00, v0  }
0x95: {  	v6 =	vld [tilespmem:s10+$0xFFFFFFE0];
	v1 =	vmul.f32 $8.000000000e+00, v1  }
0x96: {  	v7 =	vld [tilespmem:s10+$0xFFFFFFF0];
	v2 =	vmul.f32 $8.000000000e+00, v2;
	[tilespmem:s10+$0x70] =	vst v0  }
0x97: {  	[tilespmem:s10+$0xFFFFFF90] =	vst v1;
	v0 =	vmul.f32 $8.000000000e+00, v3;
	v3 =	vld [tilespmem:s10+$0x0]  }
0x98: {  	[tilespmem:s10+$0xFFFFFFA0] =	vst v2;
	v1 =	vmul.f32 $8.000000000e+00, v4;
	v4 =	vld [tilespmem:s10+$0x10]  }
0x99: {  	v8 =	vld [tilespmem:s10+$0x20];
	v2 =	vmul.f32 $8.000000000e+00, v5;
	[tilespmem:s10+$0xFFFFFFB0] =	vst v0  }
0x9a: {  	v5 =	vmul.f32 $8.000000000e+00, v6;
	[tilespmem:s10+$0xFFFFFFC0] =	vst v1;
	v0 =	vld [tilespmem:s10+$0x30]  }
0x9b: {  	[tilespmem:s10+$0xFFFFFFD0] =	vst v2;
	v2 =	vmul.f32 $8.000000000e+00, v7;
	v1 =	vld [tilespmem:s10+$0x40]  }
0x9c: {  	[tilespmem:s10+$0xFFFFFFE0] =	vst v5;
	v6 =	vmul.f32 $8.000000000e+00, v3;
	v3 =	vld [tilespmem:s10+$0x50]  }
0x9d: {  	[tilespmem:s10+$0xFFFFFFF0] =	vst v2;
	v2 =	vld [tilespmem:s10+$0x60];
	v5 =	vmul.f32 $8.000000000e+00, v4  }
0x9e: {  	s11 =	simm.s32 $0xC980;
	s7 =	simm.s32 $0x0;
	v4 =	vld [tilespmem:s10+$0xFFFFFF80];
	[tilespmem:s10+$0x0] =	vst v6;
	v6 =	vmul.f32 $8.000000000e+00, v8  }
.LBB2_5:
0x9f: {  	v7 =	vld [tilespmem:s11+$0x70];
	s7 =	sadd.s32 $0x4, s7;
	[tilespmem:s10+$0x10] =	vst v5;
	v0 =	vmul.f32 $8.000000000e+00, v0  }
0xa0: {  	v5 =	vld [tilespmem:s11+$0xFFFFFF90];
	p1 =	slt.u32 s7, $0x7C;
	[tilespmem:s10+$0x20] =	vst v6;
	v1 =	vmul.f32 $8.000000000e+00, v1  }
0xa1: {  	v6 =	vld [tilespmem:s11+$0xFFFFFFA0];
	[tilespmem:s10+$0x30] =	vst v0;
	v0 =	vmul.f32 $8.000000000e+00, v3  }
0xa2: {  	v3 =	vld [tilespmem:s11+$0xFFFFFFB0];
	[tilespmem:s10+$0x40] =	vst v1;
	v1 =	vmul.f32 $8.000000000e+00, v2  }
0xa3: {  	v2 =	vld [tilespmem:s11+$0xFFFFFFC0];
	v4 =	vmul.f32 $8.000000000e+00, v4;
	[tilespmem:s10+$0x50] =	vst v0  }
0xa4: {  	v0 =	vld [tilespmem:s11+$0xFFFFFFD0];
	v7 =	vmul.f32 $8.000000000e+00, v7;
	[tilespmem:s10+$0x60] =	vst v1  }
0xa5: {  	v1 =	vmul.f32 $8.000000000e+00, v5;
	v5 =	vld [tilespmem:s11+$0xFFFFFFE0];
	[tilespmem:s10+$0xFFFFFF80] =	vst v4;
	s10 =	smov.u32 s11  }
0xa6: {  	v4 =	vmul.f32 $8.000000000e+00, v6;
	v6 =	vld [tilespmem:s11+$0xFFFFFFF0];
	[tilespmem:s11+$0x70] =	vst v7  }
0xa7: {  	[tilespmem:s11+$0xFFFFFF90] =	vst v1;
	v1 =	vmul.f32 $8.000000000e+00, v3;
	v3 =	vld [tilespmem:s11+$0x0]  }
0xa8: {  	[tilespmem:s11+$0xFFFFFFA0] =	vst v4;
	v2 =	vmul.f32 $8.000000000e+00, v2;
	v4 =	vld [tilespmem:s11+$0x10]  }
0xa9: {  	[tilespmem:s11+$0xFFFFFFB0] =	vst v1;
	v1 =	vmul.f32 $8.000000000e+00, v0;
	v7 =	vld [tilespmem:s11+$0x20]  }
.Ltmp1:
0xaa: {  	[tilespmem:s11+$0xFFFFFFC0] =	vst v2;
	v2 =	vmul.f32 $8.000000000e+00, v5;
	v0 =	vld [tilespmem:s11+$0x30];
	(pc) =	sbr.rel @p1 .LBB2_5-.Ltmp1, $4  }
0xab: {  	[tilespmem:s11+$0xFFFFFFD0] =	vst v1;
	v5 =	vmul.f32 $8.000000000e+00, v6;
	v1 =	vld [tilespmem:s11+$0x40]  }
0xac: {  	[tilespmem:s11+$0xFFFFFFE0] =	vst v2;
	v6 =	vmul.f32 $8.000000000e+00, v3;
	v3 =	vld [tilespmem:s11+$0x50]  }
0xad: {  	[tilespmem:s11+$0xFFFFFFF0] =	vst v5;
	v5 =	vmul.f32 $8.000000000e+00, v4;
	v2 =	vld [tilespmem:s11+$0x60]  }
0xae: {  	s11 =	sadd.s32 $0x100, s11;
	v4 =	vld [tilespmem:s10+$0xFFFFFF80];
	[tilespmem:s10+$0x0] =	vst v6;
	v6 =	vmul.f32 $8.000000000e+00, v7  }
0xaf: {  	[tilespmem:s10+$0x10] =	vst v5;
	v0 =	vmul.f32 $8.000000000e+00, v0  }
0xb0: {  	[tilespmem:s10+$0x20] =	vst v6;
	v1 =	vmul.f32 $8.000000000e+00, v1  }
0xb1: {  	s7 =	smul.u32 $0x280, s13;
	[tilespmem:s10+$0x30] =	vst v0;
	v0 =	vmul.f32 $8.000000000e+00, v3  }
0xb2: {  	[tilespmem:s10+$0x40] =	vst v1;
	v1 =	vmul.f32 $8.000000000e+00, v2  }
0xb3: {  	s0 =	sadd.s32 s3, s7;
	v2 =	vmul.f32 $8.000000000e+00, v4;
	[tilespmem:s10+$0x50] =	vst v0  }
0xb4: {  	s0 =	sshll.u32 s0, $0x4;
	[tilespmem:s10+$0x60] =	vst v1  }
0xb5: {  	s0 =	sadd.s32 s6, s0;
	[tilespmem:s10+$0xFFFFFF80] =	vst v2  }
0xb6: {  	[hbm4b:s0+s21] =	stream.strided.scatter [tilespmem:s14], [sflag:$0x6], $0x2000, s12, s21, $0x38;
	[tilespmem:$0x16800] =	vst v63  }
0xb7: {  	s2 =	sadd.s32 $0x4, s2;
	s0 =	simm.s32 @!p0 $0xA  }
0xb8: {  	s30 =	sshll.u32 s2, $0x7;
	_ =	swait.ge @!p0 [sflag:s0], $0x2000  }
0xb9: {  	s10 =	sand.u32 $0x3FFFFF80, s30;
	[sflag:s0] =	ssyncset.done @!p0 $0x0  }
0xba: {  	s31 =	sadd.s32 $0x6400, s10;
	[sflag:s0] =	ssyncadd.s32 @!p0 $0xFFFFE000  }
0xbb: {  	[tilespmem:s22], [sflag:$0x5] =	stream.indirect.gather [hbm4b:s4+s12], $0x40, s31, s12, $0xb8;
	[tilespmem:$0x16800] =	vst v63  }
0xbc: {  	_ =	swait.ge [sflag:s23], $0x2000  }
0xbd: {  	[sflag:s23] =	ssyncset.done $0x0  }
0xbe: {  	s10 =	simm.s32 $0xE880;
	[sflag:s23] =	ssyncadd.s32 $0xFFFFE000  }
0xbf: {  	v0 =	vld [tilespmem:s10+$0x70]  }
0xc0: {  	v1 =	vld [tilespmem:s10+$0xFFFFFF90]  }
0xc1: {  	v2 =	vld [tilespmem:s10+$0xFFFFFFA0]  }
0xc2: {  	v3 =	vld [tilespmem:s10+$0xFFFFFFB0]  }
0xc3: {  	v4 =	vld [tilespmem:s10+$0xFFFFFFC0]  }
0xc4: {  	v5 =	vld [tilespmem:s10+$0xFFFFFFD0];
	v0 =	vmul.f32 $8.000000000e+00, v0  }
0xc5: {  	v6 =	vld [tilespmem:s10+$0xFFFFFFE0];
	v1 =	vmul.f32 $8.000000000e+00, v1  }
0xc6: {  	v7 =	vld [tilespmem:s10+$0xFFFFFFF0];
	v2 =	vmul.f32 $8.000000000e+00, v2;
	[tilespmem:s10+$0x70] =	vst v0  }
0xc7: {  	[tilespmem:s10+$0xFFFFFF90] =	vst v1;
	v0 =	vmul.f32 $8.000000000e+00, v3;
	v3 =	vld [tilespmem:s10+$0x0]  }
0xc8: {  	[tilespmem:s10+$0xFFFFFFA0] =	vst v2;
	v1 =	vmul.f32 $8.000000000e+00, v4;
	v4 =	vld [tilespmem:s10+$0x10]  }
0xc9: {  	v8 =	vld [tilespmem:s10+$0x20];
	v2 =	vmul.f32 $8.000000000e+00, v5;
	[tilespmem:s10+$0xFFFFFFB0] =	vst v0  }
0xca: {  	v5 =	vmul.f32 $8.000000000e+00, v6;
	[tilespmem:s10+$0xFFFFFFC0] =	vst v1;
	v0 =	vld [tilespmem:s10+$0x30]  }
0xcb: {  	[tilespmem:s10+$0xFFFFFFD0] =	vst v2;
	v2 =	vmul.f32 $8.000000000e+00, v7;
	v1 =	vld [tilespmem:s10+$0x40]  }
0xcc: {  	[tilespmem:s10+$0xFFFFFFE0] =	vst v5;
	v6 =	vmul.f32 $8.000000000e+00, v3;
	v3 =	vld [tilespmem:s10+$0x50]  }
0xcd: {  	[tilespmem:s10+$0xFFFFFFF0] =	vst v2;
	v2 =	vld [tilespmem:s10+$0x60];
	v5 =	vmul.f32 $8.000000000e+00, v4  }
0xce: {  	s11 =	simm.s32 $0x0;
	s28 =	simm.s32 $0xE980;
	v4 =	vld [tilespmem:s10+$0xFFFFFF80];
	[tilespmem:s10+$0x0] =	vst v6;
	v6 =	vmul.f32 $8.000000000e+00, v8  }
.LBB2_7:
0xcf: {  	v7 =	vld [tilespmem:s28+$0x70];
	s11 =	sadd.s32 $0x4, s11;
	[tilespmem:s10+$0x10] =	vst v5;
	v0 =	vmul.f32 $8.000000000e+00, v0  }
0xd0: {  	v5 =	vld [tilespmem:s28+$0xFFFFFF90];
	p0 =	slt.u32 s11, $0x7C;
	[tilespmem:s10+$0x20] =	vst v6;
	v1 =	vmul.f32 $8.000000000e+00, v1  }
0xd1: {  	v6 =	vld [tilespmem:s28+$0xFFFFFFA0];
	[tilespmem:s10+$0x30] =	vst v0;
	v0 =	vmul.f32 $8.000000000e+00, v3  }
0xd2: {  	v3 =	vld [tilespmem:s28+$0xFFFFFFB0];
	[tilespmem:s10+$0x40] =	vst v1;
	v1 =	vmul.f32 $8.000000000e+00, v2  }
0xd3: {  	v2 =	vld [tilespmem:s28+$0xFFFFFFC0];
	v4 =	vmul.f32 $8.000000000e+00, v4;
	[tilespmem:s10+$0x50] =	vst v0  }
0xd4: {  	v0 =	vld [tilespmem:s28+$0xFFFFFFD0];
	v7 =	vmul.f32 $8.000000000e+00, v7;
	[tilespmem:s10+$0x60] =	vst v1  }
0xd5: {  	v1 =	vmul.f32 $8.000000000e+00, v5;
	v5 =	vld [tilespmem:s28+$0xFFFFFFE0];
	[tilespmem:s10+$0xFFFFFF80] =	vst v4;
	s10 =	smov.u32 s28  }
0xd6: {  	v4 =	vmul.f32 $8.000000000e+00, v6;
	v6 =	vld [tilespmem:s28+$0xFFFFFFF0];
	[tilespmem:s28+$0x70] =	vst v7  }
0xd7: {  	[tilespmem:s28+$0xFFFFFF90] =	vst v1;
	v1 =	vmul.f32 $8.000000000e+00, v3;
	v3 =	vld [tilespmem:s28+$0x0]  }
0xd8: {  	[tilespmem:s28+$0xFFFFFFA0] =	vst v4;
	v2 =	vmul.f32 $8.000000000e+00, v2;
	v4 =	vld [tilespmem:s28+$0x10]  }
0xd9: {  	[tilespmem:s28+$0xFFFFFFB0] =	vst v1;
	v1 =	vmul.f32 $8.000000000e+00, v0;
	v7 =	vld [tilespmem:s28+$0x20]  }
.Ltmp2:
0xda: {  	[tilespmem:s28+$0xFFFFFFC0] =	vst v2;
	v2 =	vmul.f32 $8.000000000e+00, v5;
	v0 =	vld [tilespmem:s28+$0x30];
	(pc) =	sbr.rel @p0 .LBB2_7-.Ltmp2, $4  }
0xdb: {  	[tilespmem:s28+$0xFFFFFFD0] =	vst v1;
	v5 =	vmul.f32 $8.000000000e+00, v6;
	v1 =	vld [tilespmem:s28+$0x40]  }
0xdc: {  	[tilespmem:s28+$0xFFFFFFE0] =	vst v2;
	v6 =	vmul.f32 $8.000000000e+00, v3;
	v3 =	vld [tilespmem:s28+$0x50]  }
0xdd: {  	[tilespmem:s28+$0xFFFFFFF0] =	vst v5;
	v5 =	vmul.f32 $8.000000000e+00, v4;
	v2 =	vld [tilespmem:s28+$0x60]  }
0xde: {  	s28 =	sadd.s32 $0x100, s28;
	v4 =	vld [tilespmem:s10+$0xFFFFFF80];
	[tilespmem:s10+$0x0] =	vst v6;
	v6 =	vmul.f32 $8.000000000e+00, v7  }
0xdf: {  	[tilespmem:s10+$0x10] =	vst v5;
	v0 =	vmul.f32 $8.000000000e+00, v0  }
0xe0: {  	[tilespmem:s10+$0x20] =	vst v6;
	v1 =	vmul.f32 $8.000000000e+00, v1  }
0xe1: {  	s0 =	smul.u32 $0x14000, s13;
	[tilespmem:s10+$0x30] =	vst v0;
	v0 =	vmul.f32 $8.000000000e+00, v3  }
0xe2: {  	[tilespmem:s10+$0x40] =	vst v1;
	v1 =	vmul.f32 $8.000000000e+00, v2  }
0xe3: {  	s0 =	sadd.s32 s0, s8;
	v2 =	vmul.f32 $8.000000000e+00, v4;
	[tilespmem:s10+$0x50] =	vst v0  }
0xe4: {  	s0 =	sshrl.u32 s0, $0x3;
	[tilespmem:s10+$0x60] =	vst v1  }
0xe5: {  	p0 =	seq.s32 s13, $0x27;
	s0 =	sadd.s32 s6, s0;
	[tilespmem:s10+$0xFFFFFF80] =	vst v2  }
0xe6: {  	[hbm4b:s0+s21] =	stream.strided.scatter [tilespmem:s16], [sflag:$0x7], $0x2000, s12, s21, $0x38;
	[tilespmem:$0x16800] =	vst v63  }
0xe7: {  	s10 =	smul.u32 @!p0 $0xA00, s13;
	s0 =	simm.s32 @!p0 $0x6  }
0xe8: {  	_ =	swait.ge @!p0 [sflag:s0], $0x2000  }
0xe9: {  	s11 =	simm.s32 @!p0 $0x80;
	s10 =	sshra.s32 @!p0 s10, $0x2;
	[sflag:s0] =	ssyncset.done @!p0 $0x0  }
0xea: {  	s28 =	simm.s32 @!p0 $0xC800;
	[sflag:s0] =	ssyncadd.s32 @!p0 $0xFFFFE000;
	s0 =	sadd.s32 @!p0 $0x6680, s10  }
0xeb: {  	[tilespmem:s28], [sflag:$0x1] =	stream.indirect.gather @!p0 [hbm4b:s4+s11], $0x40, s0, s11, $0xb8;
	[tilespmem:$0x16800] =	vst v63  }
0xec: {  	_ =	swait.ge [sflag:s24], $0x2000  }
0xed: {  	[sflag:s24] =	ssyncset.done $0x0  }
0xee: {  	s11 =	simm.s32 $0x10880;
	[sflag:s24] =	ssyncadd.s32 $0xFFFFE000  }
0xef: {  	v0 =	vld [tilespmem:s11+$0x70]  }
0xf0: {  	v1 =	vld [tilespmem:s11+$0xFFFFFF90]  }
0xf1: {  	v2 =	vld [tilespmem:s11+$0xFFFFFFA0]  }
0xf2: {  	v3 =	vld [tilespmem:s11+$0xFFFFFFB0]  }
0xf3: {  	v4 =	vld [tilespmem:s11+$0xFFFFFFC0]  }
0xf4: {  	v5 =	vld [tilespmem:s11+$0xFFFFFFD0];
	v0 =	vmul.f32 $8.000000000e+00, v0  }
0xf5: {  	v6 =	vld [tilespmem:s11+$0xFFFFFFE0];
	v1 =	vmul.f32 $8.000000000e+00, v1  }
0xf6: {  	v7 =	vld [tilespmem:s11+$0xFFFFFFF0];
	v2 =	vmul.f32 $8.000000000e+00, v2;
	[tilespmem:s11+$0x70] =	vst v0  }
0xf7: {  	[tilespmem:s11+$0xFFFFFF90] =	vst v1;
	v0 =	vmul.f32 $8.000000000e+00, v3;
	v3 =	vld [tilespmem:s11+$0x0]  }
0xf8: {  	[tilespmem:s11+$0xFFFFFFA0] =	vst v2;
	v1 =	vmul.f32 $8.000000000e+00, v4;
	v4 =	vld [tilespmem:s11+$0x10]  }
0xf9: {  	v8 =	vld [tilespmem:s11+$0x20];
	v2 =	vmul.f32 $8.000000000e+00, v5;
	[tilespmem:s11+$0xFFFFFFB0] =	vst v0  }
0xfa: {  	v5 =	vmul.f32 $8.000000000e+00, v6;
	[tilespmem:s11+$0xFFFFFFC0] =	vst v1;
	v0 =	vld [tilespmem:s11+$0x30]  }
0xfb: {  	v6 =	vmul.f32 $8.000000000e+00, v7;
	[tilespmem:s11+$0xFFFFFFD0] =	vst v2;
	v1 =	vld [tilespmem:s11+$0x40]  }
0xfc: {  	[tilespmem:s11+$0xFFFFFFE0] =	vst v5;
	v2 =	vld [tilespmem:s11+$0x50];
	v7 =	vmul.f32 $8.000000000e+00, v3  }
0xfd: {  	[tilespmem:s11+$0xFFFFFFF0] =	vst v6;
	v3 =	vld [tilespmem:s11+$0x60];
	v5 =	vmul.f32 $8.000000000e+00, v4  }
0xfe: {  	s29 =	simm.s32 $0x10980;
	s28 =	simm.s32 $0x0;
	v6 =	vmul.f32 $8.000000000e+00, v8;
	v4 =	vld [tilespmem:s11+$0xFFFFFF80];
	[tilespmem:s11+$0x0] =	vst v7  }
.LBB2_9:
0xff: {  	v7 =	vld [tilespmem:s29+$0x70];
	s28 =	sadd.s32 $0x4, s28;
	[tilespmem:s11+$0x10] =	vst v5;
	v0 =	vmul.f32 $8.000000000e+00, v0  }
0x100: {  	v5 =	vld [tilespmem:s29+$0xFFFFFF90];
	p1 =	slt.u32 s28, $0x7C;
	[tilespmem:s11+$0x20] =	vst v6;
	v1 =	vmul.f32 $8.000000000e+00, v1  }
0x101: {  	v6 =	vld [tilespmem:s29+$0xFFFFFFA0];
	[tilespmem:s11+$0x30] =	vst v0;
	v0 =	vmul.f32 $8.000000000e+00, v2  }
0x102: {  	v2 =	vld [tilespmem:s29+$0xFFFFFFB0];
	[tilespmem:s11+$0x40] =	vst v1;
	v1 =	vmul.f32 $8.000000000e+00, v3  }
0x103: {  	v3 =	vld [tilespmem:s29+$0xFFFFFFC0];
	v4 =	vmul.f32 $8.000000000e+00, v4;
	[tilespmem:s11+$0x50] =	vst v0  }
0x104: {  	v0 =	vld [tilespmem:s29+$0xFFFFFFD0];
	v7 =	vmul.f32 $8.000000000e+00, v7;
	[tilespmem:s11+$0x60] =	vst v1  }
0x105: {  	v1 =	vmul.f32 $8.000000000e+00, v5;
	v5 =	vld [tilespmem:s29+$0xFFFFFFE0];
	[tilespmem:s11+$0xFFFFFF80] =	vst v4;
	s11 =	smov.u32 s29  }
0x106: {  	v4 =	vmul.f32 $8.000000000e+00, v6;
	v6 =	vld [tilespmem:s29+$0xFFFFFFF0];
	[tilespmem:s29+$0x70] =	vst v7  }
0x107: {  	[tilespmem:s29+$0xFFFFFF90] =	vst v1;
	v1 =	vmul.f32 $8.000000000e+00, v2;
	v2 =	vld [tilespmem:s29+$0x0]  }
0x108: {  	[tilespmem:s29+$0xFFFFFFA0] =	vst v4;
	v3 =	vmul.f32 $8.000000000e+00, v3;
	v4 =	vld [tilespmem:s29+$0x10]  }
0x109: {  	[tilespmem:s29+$0xFFFFFFB0] =	vst v1;
	v1 =	vmul.f32 $8.000000000e+00, v0;
	v7 =	vld [tilespmem:s29+$0x20]  }
.Ltmp3:
0x10a: {  	[tilespmem:s29+$0xFFFFFFC0] =	vst v3;
	v3 =	vmul.f32 $8.000000000e+00, v5;
	v0 =	vld [tilespmem:s29+$0x30];
	(pc) =	sbr.rel @p1 .LBB2_9-.Ltmp3, $4  }
0x10b: {  	[tilespmem:s29+$0xFFFFFFD0] =	vst v1;
	v5 =	vmul.f32 $8.000000000e+00, v6;
	v1 =	vld [tilespmem:s29+$0x40]  }
0x10c: {  	[tilespmem:s29+$0xFFFFFFE0] =	vst v3;
	v6 =	vmul.f32 $8.000000000e+00, v2;
	v2 =	vld [tilespmem:s29+$0x50]  }
0x10d: {  	[tilespmem:s29+$0xFFFFFFF0] =	vst v5;
	v5 =	vmul.f32 $8.000000000e+00, v4;
	v3 =	vld [tilespmem:s29+$0x60]  }
0x10e: {  	s29 =	sadd.s32 $0x100, s29;
	v4 =	vld [tilespmem:s11+$0xFFFFFF80];
	[tilespmem:s11+$0x0] =	vst v6;
	v6 =	vmul.f32 $8.000000000e+00, v7  }
0x10f: {  	[tilespmem:s11+$0x10] =	vst v5;
	v0 =	vmul.f32 $8.000000000e+00, v0  }
0x110: {  	[tilespmem:s11+$0x20] =	vst v6;
	v1 =	vmul.f32 $8.000000000e+00, v1  }
0x111: {  	[tilespmem:s11+$0x30] =	vst v0;
	v0 =	vmul.f32 $8.000000000e+00, v2  }
0x112: {  	s0 =	sadd.s32 s7, s9;
	[tilespmem:s11+$0x40] =	vst v1;
	v1 =	vmul.f32 $8.000000000e+00, v3  }
0x113: {  	s0 =	sshll.u32 s0, $0x4;
	v2 =	vmul.f32 $8.000000000e+00, v4;
	[tilespmem:s11+$0x50] =	vst v0  }
0x114: {  	s0 =	sand.u32 $0x1FFFF800, s0;
	[tilespmem:s11+$0x60] =	vst v1  }
0x115: {  	s0 =	sadd.s32 s6, s0;
	[tilespmem:s11+$0xFFFFFF80] =	vst v2  }
0x116: {  	[hbm4b:s0+s21] =	stream.strided.scatter [tilespmem:s18], [sflag:$0x8], $0x2000, s12, s21, $0x38;
	[tilespmem:$0x16800] =	vst v63  }
0x117: {  	s0 =	simm.s32 @!p0 $0x7  }
0x118: {  	_ =	swait.ge @!p0 [sflag:s0], $0x2000  }
0x119: {  	s7 =	simm.s32 @!p0 $0x80;
	[sflag:s0] =	ssyncset.done @!p0 $0x0  }
0x11a: {  	s11 =	simm.s32 @!p0 $0xE800;
	[sflag:s0] =	ssyncadd.s32 @!p0 $0xFFFFE000;
	s0 =	sadd.s32 @!p0 $0x6700, s10  }
0x11b: {  	[tilespmem:s11], [sflag:$0x2] =	stream.indirect.gather @!p0 [hbm4b:s4+s7], $0x40, s0, s7, $0xb8;
	[tilespmem:$0x16800] =	vst v63  }
0x11c: {  	_ =	swait.ge [sflag:s25], $0x2000  }
0x11d: {  	[sflag:s25] =	ssyncset.done $0x0  }
0x11e: {  	s7 =	simm.s32 $0x12880;
	[sflag:s25] =	ssyncadd.s32 $0xFFFFE000  }
0x11f: {  	v0 =	vld [tilespmem:s7+$0x70]  }
0x120: {  	v1 =	vld [tilespmem:s7+$0xFFFFFF90]  }
0x121: {  	v2 =	vld [tilespmem:s7+$0xFFFFFFA0]  }
0x122: {  	v3 =	vld [tilespmem:s7+$0xFFFFFFB0]  }
0x123: {  	v4 =	vld [tilespmem:s7+$0xFFFFFFC0]  }
0x124: {  	v5 =	vld [tilespmem:s7+$0xFFFFFFD0];
	v0 =	vmul.f32 $8.000000000e+00, v0  }
0x125: {  	v6 =	vld [tilespmem:s7+$0xFFFFFFE0];
	v1 =	vmul.f32 $8.000000000e+00, v1  }
0x126: {  	v7 =	vld [tilespmem:s7+$0xFFFFFFF0];
	v2 =	vmul.f32 $8.000000000e+00, v2;
	[tilespmem:s7+$0x70] =	vst v0  }
0x127: {  	[tilespmem:s7+$0xFFFFFF90] =	vst v1;
	v0 =	vmul.f32 $8.000000000e+00, v3;
	v3 =	vld [tilespmem:s7+$0x0]  }
0x128: {  	[tilespmem:s7+$0xFFFFFFA0] =	vst v2;
	v1 =	vmul.f32 $8.000000000e+00, v4;
	v4 =	vld [tilespmem:s7+$0x10]  }
0x129: {  	v8 =	vld [tilespmem:s7+$0x20];
	v2 =	vmul.f32 $8.000000000e+00, v5;
	[tilespmem:s7+$0xFFFFFFB0] =	vst v0  }
0x12a: {  	v5 =	vmul.f32 $8.000000000e+00, v6;
	[tilespmem:s7+$0xFFFFFFC0] =	vst v1;
	v0 =	vld [tilespmem:s7+$0x30]  }
0x12b: {  	v6 =	vmul.f32 $8.000000000e+00, v7;
	[tilespmem:s7+$0xFFFFFFD0] =	vst v2;
	v1 =	vld [tilespmem:s7+$0x40]  }
0x12c: {  	[tilespmem:s7+$0xFFFFFFE0] =	vst v5;
	v2 =	vld [tilespmem:s7+$0x50];
	v7 =	vmul.f32 $8.000000000e+00, v3  }
0x12d: {  	[tilespmem:s7+$0xFFFFFFF0] =	vst v6;
	v3 =	vld [tilespmem:s7+$0x60];
	v5 =	vmul.f32 $8.000000000e+00, v4  }
0x12e: {  	s28 =	simm.s32 $0x12980;
	s11 =	simm.s32 $0x0;
	v6 =	vmul.f32 $8.000000000e+00, v8;
	v4 =	vld [tilespmem:s7+$0xFFFFFF80];
	[tilespmem:s7+$0x0] =	vst v7  }
.LBB2_11:
0x12f: {  	v7 =	vld [tilespmem:s28+$0x70];
	s11 =	sadd.s32 $0x4, s11;
	[tilespmem:s7+$0x10] =	vst v5;
	v0 =	vmul.f32 $8.000000000e+00, v0  }
0x130: {  	v5 =	vld [tilespmem:s28+$0xFFFFFF90];
	p1 =	slt.u32 s11, $0x7C;
	[tilespmem:s7+$0x20] =	vst v6;
	v1 =	vmul.f32 $8.000000000e+00, v1  }
0x131: {  	v6 =	vld [tilespmem:s28+$0xFFFFFFA0];
	[tilespmem:s7+$0x30] =	vst v0;
	v0 =	vmul.f32 $8.000000000e+00, v2  }
0x132: {  	v2 =	vld [tilespmem:s28+$0xFFFFFFB0];
	[tilespmem:s7+$0x40] =	vst v1;
	v1 =	vmul.f32 $8.000000000e+00, v3  }
0x133: {  	v3 =	vld [tilespmem:s28+$0xFFFFFFC0];
	v4 =	vmul.f32 $8.000000000e+00, v4;
	[tilespmem:s7+$0x50] =	vst v0  }
0x134: {  	v0 =	vld [tilespmem:s28+$0xFFFFFFD0];
	v7 =	vmul.f32 $8.000000000e+00, v7;
	[tilespmem:s7+$0x60] =	vst v1  }
0x135: {  	v1 =	vmul.f32 $8.000000000e+00, v5;
	v5 =	vld [tilespmem:s28+$0xFFFFFFE0];
	[tilespmem:s7+$0xFFFFFF80] =	vst v4;
	s7 =	smov.u32 s28  }
0x136: {  	v4 =	vmul.f32 $8.000000000e+00, v6;
	v6 =	vld [tilespmem:s28+$0xFFFFFFF0];
	[tilespmem:s28+$0x70] =	vst v7  }
0x137: {  	[tilespmem:s28+$0xFFFFFF90] =	vst v1;
	v1 =	vmul.f32 $8.000000000e+00, v2;
	v2 =	vld [tilespmem:s28+$0x0]  }
0x138: {  	[tilespmem:s28+$0xFFFFFFA0] =	vst v4;
	v3 =	vmul.f32 $8.000000000e+00, v3;
	v4 =	vld [tilespmem:s28+$0x10]  }
0x139: {  	[tilespmem:s28+$0xFFFFFFB0] =	vst v1;
	v1 =	vmul.f32 $8.000000000e+00, v0;
	v7 =	vld [tilespmem:s28+$0x20]  }
.Ltmp4:
0x13a: {  	[tilespmem:s28+$0xFFFFFFC0] =	vst v3;
	v3 =	vmul.f32 $8.000000000e+00, v5;
	v0 =	vld [tilespmem:s28+$0x30];
	(pc) =	sbr.rel @p1 .LBB2_11-.Ltmp4, $4  }
0x13b: {  	[tilespmem:s28+$0xFFFFFFD0] =	vst v1;
	v5 =	vmul.f32 $8.000000000e+00, v6;
	v1 =	vld [tilespmem:s28+$0x40]  }
0x13c: {  	[tilespmem:s28+$0xFFFFFFE0] =	vst v3;
	v6 =	vmul.f32 $8.000000000e+00, v2;
	v2 =	vld [tilespmem:s28+$0x50]  }
0x13d: {  	[tilespmem:s28+$0xFFFFFFF0] =	vst v5;
	v5 =	vmul.f32 $8.000000000e+00, v4;
	v3 =	vld [tilespmem:s28+$0x60]  }
0x13e: {  	s28 =	sadd.s32 $0x100, s28;
	v4 =	vld [tilespmem:s7+$0xFFFFFF80];
	[tilespmem:s7+$0x0] =	vst v6;
	v6 =	vmul.f32 $8.000000000e+00, v7  }
0x13f: {  	[tilespmem:s7+$0x10] =	vst v5;
	v0 =	vmul.f32 $8.000000000e+00, v0  }
0x140: {  	[tilespmem:s7+$0x20] =	vst v6;
	v1 =	vmul.f32 $8.000000000e+00, v1  }
0x141: {  	[tilespmem:s7+$0x30] =	vst v0;
	v0 =	vmul.f32 $8.000000000e+00, v2  }
0x142: {  	s0 =	sshll.u32 s17, $0xE;
	[tilespmem:s7+$0x40] =	vst v1;
	v1 =	vmul.f32 $8.000000000e+00, v3  }
0x143: {  	s0 =	sadd.s32 s5, s0;
	v2 =	vmul.f32 $8.000000000e+00, v4;
	[tilespmem:s7+$0x50] =	vst v0  }
0x144: {  	s0 =	sshrl.u32 s0, $0x3;
	[tilespmem:s7+$0x60] =	vst v1  }
0x145: {  	s0 =	sadd.s32 s6, s0;
	[tilespmem:s7+$0xFFFFFF80] =	vst v2  }
0x146: {  	[hbm4b:s0+s21] =	stream.strided.scatter [tilespmem:s19], [sflag:$0x9], $0x2000, s12, s21, $0x38;
	[tilespmem:$0x16800] =	vst v63  }
0x147: {  	s0 =	simm.s32 @!p0 $0x8  }
0x148: {  	_ =	swait.ge @!p0 [sflag:s0], $0x2000  }
0x149: {  	s7 =	simm.s32 @!p0 $0x80;
	[sflag:s0] =	ssyncset.done @!p0 $0x0  }
0x14a: {  	[sflag:s0] =	ssyncadd.s32 @!p0 $0xFFFFE000;
	s0 =	sadd.s32 @!p0 $0x6780, s10;
	s10 =	simm.s32 @!p0 $0x10800  }
0x14b: {  	[tilespmem:s10], [sflag:$0x3] =	stream.indirect.gather @!p0 [hbm4b:s4+s7], $0x40, s0, s7, $0xb8;
	[tilespmem:$0x16800] =	vst v63  }
0x14c: {  	_ =	swait.ge [sflag:s26], $0x2000  }
0x14d: {  	[sflag:s26] =	ssyncset.done $0x0  }
0x14e: {  	s7 =	simm.s32 $0x14880;
	[sflag:s26] =	ssyncadd.s32 $0xFFFFE000  }
0x14f: {  	v0 =	vld [tilespmem:s7+$0x70]  }
0x150: {  	v1 =	vld [tilespmem:s7+$0xFFFFFF90]  }
0x151: {  	v2 =	vld [tilespmem:s7+$0xFFFFFFA0]  }
0x152: {  	v3 =	vld [tilespmem:s7+$0xFFFFFFB0]  }
0x153: {  	v4 =	vld [tilespmem:s7+$0xFFFFFFC0]  }
0x154: {  	v5 =	vld [tilespmem:s7+$0xFFFFFFD0];
	v0 =	vmul.f32 $8.000000000e+00, v0  }
0x155: {  	v6 =	vld [tilespmem:s7+$0xFFFFFFE0];
	v1 =	vmul.f32 $8.000000000e+00, v1  }
0x156: {  	v7 =	vld [tilespmem:s7+$0xFFFFFFF0];
	v2 =	vmul.f32 $8.000000000e+00, v2;
	[tilespmem:s7+$0x70] =	vst v0  }
0x157: {  	[tilespmem:s7+$0xFFFFFF90] =	vst v1;
	v0 =	vmul.f32 $8.000000000e+00, v3;
	v3 =	vld [tilespmem:s7+$0x0]  }
0x158: {  	[tilespmem:s7+$0xFFFFFFA0] =	vst v2;
	v1 =	vmul.f32 $8.000000000e+00, v4;
	v4 =	vld [tilespmem:s7+$0x10]  }
0x159: {  	v8 =	vld [tilespmem:s7+$0x20];
	v2 =	vmul.f32 $8.000000000e+00, v5;
	[tilespmem:s7+$0xFFFFFFB0] =	vst v0  }
0x15a: {  	v5 =	vmul.f32 $8.000000000e+00, v6;
	[tilespmem:s7+$0xFFFFFFC0] =	vst v1;
	v0 =	vld [tilespmem:s7+$0x30]  }
0x15b: {  	v6 =	vmul.f32 $8.000000000e+00, v7;
	[tilespmem:s7+$0xFFFFFFD0] =	vst v2;
	v1 =	vld [tilespmem:s7+$0x40]  }
0x15c: {  	[tilespmem:s7+$0xFFFFFFE0] =	vst v5;
	v2 =	vld [tilespmem:s7+$0x50];
	v7 =	vmul.f32 $8.000000000e+00, v3  }
0x15d: {  	[tilespmem:s7+$0xFFFFFFF0] =	vst v6;
	v3 =	vld [tilespmem:s7+$0x60];
	v5 =	vmul.f32 $8.000000000e+00, v4  }
0x15e: {  	s11 =	simm.s32 $0x14980;
	s10 =	simm.s32 $0x0;
	v6 =	vmul.f32 $8.000000000e+00, v8;
	v4 =	vld [tilespmem:s7+$0xFFFFFF80];
	[tilespmem:s7+$0x0] =	vst v7  }
.LBB2_13:
0x15f: {  	v7 =	vld [tilespmem:s11+$0x70];
	s10 =	sadd.s32 $0x4, s10;
	[tilespmem:s7+$0x10] =	vst v5;
	v0 =	vmul.f32 $8.000000000e+00, v0  }
0x160: {  	v5 =	vld [tilespmem:s11+$0xFFFFFF90];
	p0 =	slt.u32 s10, $0x7C;
	[tilespmem:s7+$0x20] =	vst v6;
	v1 =	vmul.f32 $8.000000000e+00, v1  }
0x161: {  	v6 =	vld [tilespmem:s11+$0xFFFFFFA0];
	[tilespmem:s7+$0x30] =	vst v0;
	v0 =	vmul.f32 $8.000000000e+00, v2  }
0x162: {  	v2 =	vld [tilespmem:s11+$0xFFFFFFB0];
	[tilespmem:s7+$0x40] =	vst v1;
	v1 =	vmul.f32 $8.000000000e+00, v3  }
0x163: {  	v3 =	vld [tilespmem:s11+$0xFFFFFFC0];
	v4 =	vmul.f32 $8.000000000e+00, v4;
	[tilespmem:s7+$0x50] =	vst v0  }
0x164: {  	v0 =	vld [tilespmem:s11+$0xFFFFFFD0];
	v7 =	vmul.f32 $8.000000000e+00, v7;
	[tilespmem:s7+$0x60] =	vst v1  }
0x165: {  	v1 =	vmul.f32 $8.000000000e+00, v5;
	v5 =	vld [tilespmem:s11+$0xFFFFFFE0];
	[tilespmem:s7+$0xFFFFFF80] =	vst v4;
	s7 =	smov.u32 s11  }
0x166: {  	v4 =	vmul.f32 $8.000000000e+00, v6;
	v6 =	vld [tilespmem:s11+$0xFFFFFFF0];
	[tilespmem:s11+$0x70] =	vst v7  }
0x167: {  	[tilespmem:s11+$0xFFFFFF90] =	vst v1;
	v1 =	vmul.f32 $8.000000000e+00, v2;
	v2 =	vld [tilespmem:s11+$0x0]  }
0x168: {  	[tilespmem:s11+$0xFFFFFFA0] =	vst v4;
	v3 =	vmul.f32 $8.000000000e+00, v3;
	v4 =	vld [tilespmem:s11+$0x10]  }
0x169: {  	[tilespmem:s11+$0xFFFFFFB0] =	vst v1;
	v1 =	vmul.f32 $8.000000000e+00, v0;
	v7 =	vld [tilespmem:s11+$0x20]  }
.Ltmp5:
0x16a: {  	[tilespmem:s11+$0xFFFFFFC0] =	vst v3;
	v3 =	vmul.f32 $8.000000000e+00, v5;
	v0 =	vld [tilespmem:s11+$0x30];
	(pc) =	sbr.rel @p0 .LBB2_13-.Ltmp5, $4  }
0x16b: {  	[tilespmem:s11+$0xFFFFFFD0] =	vst v1;
	v5 =	vmul.f32 $8.000000000e+00, v6;
	v1 =	vld [tilespmem:s11+$0x40]  }
0x16c: {  	[tilespmem:s11+$0xFFFFFFE0] =	vst v3;
	v6 =	vmul.f32 $8.000000000e+00, v2;
	v2 =	vld [tilespmem:s11+$0x50]  }
0x16d: {  	[tilespmem:s11+$0xFFFFFFF0] =	vst v5;
	v5 =	vmul.f32 $8.000000000e+00, v4;
	v3 =	vld [tilespmem:s11+$0x60]  }
0x16e: {  	s11 =	sadd.s32 $0x100, s11;
	v4 =	vld [tilespmem:s7+$0xFFFFFF80];
	[tilespmem:s7+$0x0] =	vst v6;
	v6 =	vmul.f32 $8.000000000e+00, v7  }
0x16f: {  	[tilespmem:s7+$0x10] =	vst v5;
	v0 =	vmul.f32 $8.000000000e+00, v0  }
0x170: {  	s13 =	sadd.s32 $0x1, s13;
	[tilespmem:s7+$0x20] =	vst v6;
	v1 =	vmul.f32 $8.000000000e+00, v1  }
0x171: {  	p0 =	sne.s32 s13, $0x28;
	[tilespmem:s7+$0x30] =	vst v0;
	v61 =	vmul.f32 $8.000000000e+00, v2  }
.Ltmp6:
0x172: {  	s0 =	sshll.u32 s2, $0xE;
	[tilespmem:s7+$0x40] =	vst v1;
	v62 =	vmul.f32 $8.000000000e+00, v3;
	(pc) =	sbr.rel @p0 .LBB2_4-.Ltmp6, $4  }
0x173: {  	s0 =	sadd.s32 s5, s0;
	v63 =	vmul.f32 $8.000000000e+00, v4;
	[tilespmem:s7+$0x50] =	vst v61  }
0x174: {  	s0 =	sshrl.u32 s0, $0x3;
	[tilespmem:s7+$0x60] =	vst v62  }
0x175: {  	s0 =	sadd.s32 s6, s0;
	[tilespmem:s7+$0xFFFFFF80] =	vst v63  }
0x176: {  	[hbm4b:s0+s21] =	stream.strided.scatter [tilespmem:s22], [sflag:$0xA], $0x2000, s12, s21, $0x38;
	[tilespmem:$0x16800] =	vst v63  }
0x177: {  	s0 =	simm.s32 $0x6  }
0x178: {  	_ =	swait.ge [sflag:s0], $0x2000  }
0x179: {  	[sflag:s0] =	ssyncset.done $0x0  }
0x17a: {  	s28 =	simm.s32 $0x7;
	[sflag:s0] =	ssyncadd.s32 $0xFFFFE000  }
0x17b: {  	_ =	swait.ge [sflag:s28], $0x2000  }
0x17c: {  	[sflag:s28] =	ssyncset.done $0x0  }
0x17d: {  	s29 =	simm.s32 $0x8;
	[sflag:s28] =	ssyncadd.s32 $0xFFFFE000  }
0x17e: {  	_ =	swait.ge [sflag:s29], $0x2000  }
0x17f: {  	[sflag:s29] =	ssyncset.done $0x0  }
0x180: {  	s30 =	simm.s32 $0x9;
	[sflag:s29] =	ssyncadd.s32 $0xFFFFE000  }
0x181: {  	_ =	swait.ge [sflag:s30], $0x2000  }
0x182: {  	[sflag:s30] =	ssyncset.done $0x0  }
0x183: {  	s2 =	simm.s32 $0xA;
	[sflag:s30] =	ssyncadd.s32 $0xFFFFE000  }
0x184: {  	_ =	swait.ge [sflag:s2], $0x2000  }
0x185: {  	s1 =	sadd.s32 $0x1, s1;
	s31 =	rddreg [dreg:$0x4]  }
0x186: {  	p0 =	sne.s32 s1, s31  }
.Ltmp7:
0x187: {  	_ = 	snop;
	(pc) =	sbr.rel @p0 .LBB2_1-.Ltmp7, $3  }
0x188: {  	_ =	sdelay $0x1  }
0x189: {  	[sflag:s2] =	ssyncset.done $0x0  }
0x18a: {  	[sflag:s2] =	ssyncadd.s32 $0xFFFFE000  }
0x18b: {  	_ =	sfence.sel $0x180000  }
0x18c: {  	[bflag:$0x0] =	sbarrier.arrive $0xFFFF  }
0x18d: {  	_ =	strace $0x9000004A  }
0x18e: {  	s0 =	stileid.u32;
	[bflag:$0x2] =	sbarrier.arrive $0xFFFF  }
0x18f: {  	p0 =	sne.s32 s0, $0x0;
	s0 =	rddreg [dreg:$0x2]  }
0x190: {  	s0 =	sadd.s32 @!p0 $0x100000, s0  }
0x191: {  	[sflag:s0] =	ssyncadd.tile.s32 @!p0 $0x1;
	_ =	shalt  }
.Lfunc_end2:
_tile_overlayer_lowered:
.L_overlay_start_2:
0x192: {  	(tag) =	ssettag $0x2  }
0x193: {  	s0 =	rddreg [dreg:$0x0];
	s2 =	stileid.u32  }
0x194: {  	s1 =	rddreg [dreg:$0x1];
	p0 =	sne.s32 s2, $0x0  }
0x195: {  	s3 =	rddreg [dreg:$0x2];
	[bflag:$0x3] =	sbarrier.arrive $0xFFFF;
	s2 =	simm.s32 @!p0 $0x1C0B  }
0x196: {  	[timem:s3], [sflag:s2] =	dma.local @!p0 [hbm:s0], s1  }
0x197: {  	s0 =	simm.s32 @!p0 $0xB  }
0x198: {  	_ =	swait.ge @!p0 [sflag:s0], s1  }
0x199: {  	s1 =	ssub.s32 @!p0 $0x0, s1;
	[sflag:s0] =	ssyncset.done @!p0 $0x0  }
0x19a: {  	[sflag:s0] =	ssyncadd.s32 @!p0 s1  }
0x19b: {  	[bflag:$0x3] =	sbarrier.arrive $0xFFFF  }
0x19c: {  	_ =	shalt  }

// kernel: sparse-core-data-format-call.1.cloned.1.call-start
scs
called_computation.1_lowered:
.L_overlay_start_0:
0x0: {  	s2 =	sld [smem:$0x3FD9]  }
0x1: {  	s3 =	sld [smem:$0x3FFE];
	_ =	sdelay $0x1  }
0x2: {  	s1 =	srdreg.scid  }
0x3: {  	s0 =	sand.u32 $0x1, s1  }
0x4: {  	s18 =	sshll.u32 s0, $0xA;
	s2 =	sadd.s32 s3, s2  }
0x5: {  	s2 =	sadd.s32 s2, s18  }
0x6: {  	[smem:$0x3FC6] =	sst s2  }
0x7: {  	_ = 	snop  }
0x8: {  	s2 =	sld [smem:$0x3FC8];
	(tm) =	ssettm $0x1  }
0x9: {  	s19 =	sld [smem:$0x3FFB];
	_ =	sdelay $0x3  }
0xa: {  	_ =	strace s19  }
0xb: {  	s3 =	sld [smem:$0x3FFC];
	_ =	sdelay $0x3  }
0xc: {  	_ =	strace s3  }
0xd: {  	s3 =	sld [smem:$0x3FFD];
	_ =	sdelay $0x3  }
0xe: {  	_ =	strace s3  }
0xf: {  	_ =	strace $0x8FFFFFFF  }
0x10: {  	s20 =	sld [smem:$0x3FDB];
	_ =	sdelay $0x1  }
0x11: {  	s4 =	simm.s32 $_scs_section_size  }
0x12: {  	s5 =	simm.s32 $_size__tile_overlayer_lowered;
	s6 =	simm.s32 $_tile_overlayer_lowered  }
0x13: {  	s23 =	simm.s32 $0x1BFF;
	s22 =	sshll.u32 s6, $0x1;
	s3 =	sadd.s32 s4, s20  }
0x14: {  	s7 =	simm.s32 $0x0;
	s21 =	sshll.u32 s5, $0x1;
	s5 =	sadd.s32 s22, s3  }
0x15: {  	[timem:s7], [sflag:s23] =	dma.local [hbm:s5], s21  }
0x16: {  	_ =	swait.ge [sflag:s23], s21  }
0x17: {  	s4 =	ssub.s32 $0x0, s21;
	[sflag:s23] =	ssyncset.done $0x0  }
0x18: {  	[sflag:s23] =	ssyncadd.s32 s4;
	_ =	sdelay $0x1  }
0x19: {  	s24 =	simm.s32 $0x1B8B  }
0x1a: {  	_ =	swait.ge [sflag:s24], $0x1  }
0x1b: {  	[sflag:s24] =	ssyncset.done $0x0  }
0x1c: {  	s26 =	simm.s32 $0x1B8E;
	s25 =	sld [smem:$0x3FFE];
	[sflag:s24] =	ssyncadd.s32 $0xFFFFFFFF  }
0x1d: {  	s27 =	simm.s32 $execute0_lowered;
	[smem:$0x3FD2] =	sst s26  }
0x1e: {  	s5 =	sshll.u32 s27, $0x1;
	_ =	strace $0x80000046;
	[dreg:$0x1] =	wrdreg $0xFFFFFFFF  }
0x1f: {  	s28 =	simm.s32 $_size_execute0_lowered;
	s3 =	sadd.s32 s3, s5;
	[dreg:$0x0] =	wrdreg $0x0  }
0x20: {  	s5 =	sshll.u32 s28, $0x1;
	[dreg:$0x2] =	wrdreg s3  }
0x21: {  	[dreg:$0x3] =	wrdreg s5  }
0x22: {  	[dreg:$0x4] =	wrdreg $0xC0  }
0x23: {  	_ =	task [dreg:s7], $0x5FFFF  }
0x24: {  	[dreg:$0x1] =	wrdreg $0xFFFFFFFF  }
0x25: {  	[dreg:$0x0] =	wrdreg $0x60  }
0x26: {  	[dreg:$0x2] =	wrdreg s2  }
0x27: {  	[dreg:$0x3] =	wrdreg s25  }
0x28: {  	[dreg:$0x4] =	wrdreg $0x9  }
0x29: {  	_ =	task.clear_ibuf [dreg:s7], $0x5FFFF;
	_ =	strace $0x90000046  }
0x2a: {  	s29 =	simm.s32 $0x9;
	_ =	strace $0x80000048  }
0x2b: {  	_ =	swait.ge [sflag:s29], $0x1  }
0x2c: {  	[sflag:s29] =	ssyncadd.s32 $0xFFFFFFFF  }
0x2d: {  	_ =	strace $0x90000048  }
0x2e: {  	_ =	sfence  }
0x2f: {  	s30 =	sld [smem:$0x0];
	_ =	sdelay $0x2  }
0x30: {  	s31 =	sshll.u32 s1, $0xD;
	s1 =	sshrl.u32 s1, $0x2  }
0x31: {  	s3 =	sand.u32 $0x4000, s31;
	s1 =	sadd.s32 s1, s30  }
0x32: {  	s0 =	sor.u32 s3, s0;
	s1 =	sshll.u32 s1, $0x11  }
0x33: {  	s0 =	sor.u32 s1, s0  }
0x34: {  	s0 =	sadd.s32 $0x8F2B, s0  }
0x35: {  	[sflag:s0] =	ssyncadd.remote.s32 $0x1  }
0x36: {  	_ =	sfence.sel $0xFFFF  }
0x37: {  	[dreg:$0x0] =	wrdreg $0xFFFFFFFF;
	(pc) =	sbr.abs _section_cstart, $3  }
0x38: {  	[dreg:$0x1] =	wrdreg $0xFFFFFFFF  }
0x39: {  	_ =	task.clear_ibuf [dreg:s7], $0x2FFFF;
	_ =	strace $0x9FFFFFFF  }
0x3a: {  	(tm) =	ssettm $0x7FFFFFFF  }
0x3b: {  	_ =	shalt  }
tec
execute0_lowered:
.L_overlay_start_1:
0x0: {  	(tag) =	ssettag $0x1  }
0x1: {  	s0 =	srdreg.scid;
	s2 =	rddreg [dreg:$0x0]  }
0x2: {  	s5 =	rddreg [dreg:$0x1];
	s1 =	stileid.u32  }
0x3: {  	s4 =	simm.s32 $0x1;
	s6 =	simm.s32 $0x2;
	s15 =	simm.s32 $0x0  }
0x4: {  	p0 =	por $0x0, $0x0;
	s8 =	simm.s32 $0x80;
	s0 =	sshll.u32 s0, $0x4  }
0x5: {  	s14 =	simm.s32 $0x0;
	s9 =	simm.s32 $0x0;
	s3 =	sand.u32 $0x10, s0  }
.Ltmp0:
0x6: {  	s10 =	simm.s32 $0x0;
	s3 =	sor.u32 s1, s3;
	(pc) =	sbr.rel .LBB1_1-.Ltmp0, $4  }
0x7: {  	s0 =	rddreg [dreg:$0x2];
	_ =	strace $0x80000047;
	s3 =	sshll.u32 s3, $0x7  }
0x8: {  	s12 =	simm.s32 $0x0;
	[sflag:s4] =	ssyncpa.u1 $0x0;
	s7 =	ssub.s32 $0xF4200, s3  }
0x9: {  	s13 =	simm.s32 $0x0;
	[sflag:s6] =	ssyncpa.u1 $0x0;
	s6 =	sshrl.u32 s7, $0xC  }
0xa: {  	s5 =	sadd.s32 $0xE00, s5;
	s11 =	smov.u32 s3;
	s7 =	sadd.s32 $0x2, s6  }
.LBB1_5:
0xb: {  	p1 =	slt.u32 s13, $0x2  }
0xc: {  	s17 =	smov.u32 s15;
	p2 =	sgt.s32 @!p1 s15, $0xF41C0;
	s16 =	sshra.s32 @!p1 s15, $0x1F  }
0xd: {  	p3 =	sgt.s32 @!p1 s14, $0x40;
	s18 =	sshra.s32 @!p1 s14, $0x1F;
	p2 =	por !p2, p1  }
0xe: {  	s15 =	sand.u32 @!p1 s16, s15;
	p3 =	por !p3, p1;
	s16 =	smov.u32 s14  }
0xf: {  	s14 =	sand.u32 @!p1 s18, s14;
	s17 =	simm.s32 @p2 $0xF41C0;
	s16 =	simm.s32 @p3 $0x40  }
0x10: {  	s15 =	ssub.s32 @!p1 s17, s15;
	s14 =	ssub.s32 @!p1 s16, s14  }
0x11: {  	s18 =	smov.u32 s12;
	s16 =	sadd.s32 @!p1 $0xFFF0BE40, s15;
	s17 =	sadd.s32 @!p1 $0xFFFFFFC0, s14  }
0x12: {  	s15 =	ssub.s32 @!p1 $0xF4240, s15;
	p2 =	sgt.s32 @!p1 s16, $0x7F;
	p3 =	sgt.s32 @!p1 s17, $0x3F  }
0x13: {  	s14 =	ssub.s32 @!p1 $0x80, s14;
	p2 =	por !p2, p1;
	p3 =	por !p3, p1  }
0x14: {  	s16 =	sadd.s32 $0x1000, s11;
	s15 =	simm.s32 @!p2 $0x0;
	s14 =	simm.s32 @!p3 $0x0  }
0x15: {  	p2 =	sgt.s32 s16, $0xF423F;
	s14 =	smul.u32 @!p1 s14, s15;
	s15 =	sadd.s32 $0x40, s12  }
0x16: {  	s18 =	smov.u32 @p2 s15  }
0x17: {  	s16 =	smov.u32 @p2 s3;
	p2 =	sgt.s32 s18, $0x3F  }
0x18: {  	s18 =	simm.s32 @p2 $0x0;
	p2 =	sne.s32 s13, s7  }
.Ltmp1:
0x19: {  	p0 =	por !p0, !p0;
	s17 =	simm.s32 @!p1 $0x2;
	(pc) =	sbr.rel @!p2 .LBB1_6-.Ltmp1, $4  }
0x1a: {  	s15 =	smov.u32 s9;
	s9 =	smov.u32 s11;
	s14 =	sand.u32 @!p1 $0x3FFFFFFF, s14  }
0x1b: {  	s11 =	smov.u32 s16;
	_ =	swait.ge @!p1 [sflag:s17], s14;
	s19 =	ssub.s32 @!p1 $0x0, s14  }
0x1c: {  	s14 =	smov.u32 s10;
	s13 =	sadd.s32 $0x1, s13;
	[sflag:s17] =	ssyncset.done @!p1 $0x0  }
0x1d: {  	s10 =	smov.u32 s12;
	s12 =	smov.u32 s18;
	[sflag:s17] =	ssyncadd.s32 @!p1 s19  }
.LBB1_1:
0x1e: {  	p1 =	sgt.u32 s13, s6  }
0x1f: {  	s16 =	sshrl.u32 @!p1 s12, $0x3  }
0x20: {  	s17 =	sshll.u32 @!p1 s11, $0x3;
	s16 =	smul.u32 @!p1 $0x7A1400, s16  }
0x21: {  	s18 =	sshll.u32 @!p1 s12, $0x7;
	s17 =	sand.u32 @!p1 $0xFFFFFC00, s17  }
0x22: {  	s16 =	sadd.s32 @!p1 s16, s17;
	s17 =	sand.u32 @!p1 $0x380, s18  }
0x23: {  	s18 =	sand.u32 @!p1 $0x7F, s11;
	s16 =	sor.u32 @!p1 s17, s16  }
0x24: {  	s17 =	sor.u32 @!p1 s18, s16  }
0x25: {  	s18 =	smulhi.u32 @!p1 $0x218D6287, s17;
	_ =	sdelay $0x1  }
0x26: {  	s16 =	smulhi.u32 @!p1 $0x218D6287, s16;
	s18 =	sshrl.u32 @!p1 s18, $0x11  }
0x27: {  	s18 =	smul.u32 @!p1 $0xF4280, s18  }
0x28: {  	s19 =	sxor.u32 @!p1 $0xFFFFFFFF, s13;
	s16 =	sshrl.u32 @!p1 s16, $0x11  }
0x29: {  	s19 =	sshll.u32 @!p1 s19, $0xD;
	s16 =	sand.u32 @!p1 $0x3F, s16;
	s17 =	ssub.s32 @!p1 s17, s18  }
0x2a: {  	s16 =	smul.u32 @!p1 $0x1E850, s16;
	s18 =	sshrl.u32 @!p1 s17, $0x3;
	s17 =	sand.u32 @!p1 $0x7, s17  }
0x2b: {  	s19 =	sand.u32 @!p1 $0x2000, s19;
	s18 =	sadd.s32 @!p1 s2, s18;
	s17 =	sshll.u32 @!p1 s17, $0x12  }
0x2c: {  	s16 =	sadd.s32 @!p1 s16, s18;
	s17 =	sor.u32 @!p1 $0x400, s17;
	s18 =	simm.s32 @!p1 $0x7A1400  }
0x2d: {  	[tilespmem:s19], [sflag:$0x1] =	stream.strided.gather @!p1 [hbm4b:s16+s17], $0x2000, s18, s17, $0x38;
	[tilespmem:$0x8100] =	vst v63  }
0x2e: {  	p1 =	seq.s32 s13, $0x0  }
0x2f: {  	p2 =	sge.u32 @!p1 s13, s7  }
0x30: {  	p1 =	por p1, p2  }
.Ltmp2:
0x31: {  	_ = 	snop;
	(pc) =	sbr.rel @p1 .LBB1_5-.Ltmp2, $1  }
0x32: {  	_ =	sdelay $0x3  }
0x33: {  	s16 =	simm.s32 $0x1  }
0x34: {  	_ =	swait.ge [sflag:s4], $0x2000;
	s16 =	simm.s32 @!p0 $0x0  }
0x35: {  	[sflag:s4] =	ssyncset.done $0x0;
	s17 =	sshll.u32 s16, $0xD  }
0x36: {  	[sflag:s4] =	ssyncadd.s32 $0xFFFFE000;
	s17 =	sor.u32 $0x40, s17  }
0x37: {  	s16 =	smul.u32 $0x8200, s16;
	v0 =	vld [tilespmem:s17+$0x30]  }
0x38: {  	v1 =	vld [tilespmem:s17+$0xFFFFFFD0]  }
0x39: {  	s16 =	sshrl.u32 s16, $0x2;
	v5 =	vld [tilespmem:s17+$0xFFFFFFE0]  }
0x3a: {  	v6 =	vld [tilespmem:s17+$0xFFFFFFF0];
	s19 =	sor.u32 $0x4000, s16  }
0x3b: {  	s31 =	sand.u32 $0x1, s13;
	v4 =	vld [tilespmem:s17+$0x0];
	s18 =	sadd.s32 $0x0, s19  }
0x3c: {  	v3 =	vld [tilespmem:s17+$0x10];
	s16 =	smul.u32 $0x8200, s31;
	[tilespmem:s18+$0x1C70 ss:$0x41] =	vst.msk $0xffff, v0  }
0x3d: {  	v2 =	vld [tilespmem:s17+$0x20];
	[tilespmem:s18+$0x410 ss:$0x41] =	vst.msk $0xffff, v1  }
0x3e: {  	s16 =	sshrl.u32 s16, $0x2;
	v1 =	vld [tilespmem:s17+$0xFFFFFFC0];
	[tilespmem:s18+$0x820 ss:$0x41] =	vst.msk $0xffff, v5;
	s17 =	sadd.s32 $0x80, s17  }
0x3f: {  	s20 =	simm.s32 $0x4;
	s21 =	simm.s32 $0x8;
	s16 =	sor.u32 $0x4000, s16;
	[tilespmem:s18+$0xC30 ss:$0x41] =	vst.msk $0xffff, v6;
	v0 =	vld [tilespmem:s17+$0x30]  }
.LBB1_3:
0x40: {  	p1 =	sne.s32 s21, $0xFC;
	v5 =	vld [tilespmem:s17+$0xFFFFFFD0];
	[tilespmem:s18+$0x1040 ss:$0x41] =	vst.msk $0xffff, v4  }
0x41: {  	v6 =	vld [tilespmem:s17+$0xFFFFFFE0];
	[tilespmem:s18+$0x1450 ss:$0x41] =	vst.msk $0xffff, v3  }
0x42: {  	s22 =	sshra.s32 s20, $0x2;
	s20 =	smov.u32 s21;
	v7 =	vld [tilespmem:s17+$0xFFFFFFF0];
	[tilespmem:s18+$0x1860 ss:$0x41] =	vst.msk $0xffff, v2  }
.Ltmp3:
0x43: {  	v4 =	vld [tilespmem:s17+$0x0];
	[tilespmem:s18+$0x0 ss:$0x41] =	vst.msk $0xffff, v1;
	s18 =	sadd.s32 s22, s19;
	(pc) =	sbr.rel @p1 .LBB1_3-.Ltmp3, $4  }
0x44: {  	v3 =	vld [tilespmem:s17+$0x10];
	[tilespmem:s18+$0x1C70 ss:$0x41] =	vst.msk $0xffff, v0  }
0x45: {  	[tilespmem:s18+$0x410 ss:$0x41] =	vst.msk $0xffff, v5;
	v2 =	vld [tilespmem:s17+$0x20]  }
0x46: {  	v1 =	vld [tilespmem:s17+$0xFFFFFFC0];
	[tilespmem:s18+$0x820 ss:$0x41] =	vst.msk $0xffff, v6;
	s17 =	sadd.s32 $0x80, s17  }
0x47: {  	s21 =	sadd.s32 $0x4, s21;
	v0 =	vld [tilespmem:s17+$0x30];
	[tilespmem:s18+$0xC30 ss:$0x41] =	vst.msk $0xffff, v7  }
0x48: {  	s21 =	sshll.u32 s9, $0x7;
	s22 =	sshll.u32 s10, $0x3;
	s20 =	sshra.s32 s20, $0x2  }
0x49: {  	p1 =	sgt.s32 s9, $0xF41C0;
	s30 =	sshra.s32 s9, $0x1F;
	s25 =	sshra.s32 s10, $0x1F  }
0x4a: {  	v5 =	vld [tilespmem:s17+$0xFFFFFFD0];
	s28 =	sshrl.u32 s10, $0x3;
	s23 =	sand.u32 $0xFFFFFC00, s21;
	s22 =	sand.u32 $0xFFFFFC00, s22  }
0x4b: {  	[tilespmem:s18+$0x1040 ss:$0x41] =	vst.msk $0xffff, v4;
	v58 =	vld [tilespmem:s17+$0xFFFFFFE0];
	s21 =	sand.u32 $0x380, s21;
	s19 =	sadd.s32 s20, s19;
	s22 =	sadd.s32 s22, s23  }
0x4c: {  	v59 =	vld [tilespmem:s17+$0xFFFFFFF0];
	[tilespmem:s18+$0x1450 ss:$0x41] =	vst.msk $0xffff, v3;
	s29 =	sor.u32 s21, s22;
	s21 =	smov.u32 s9;
	s22 =	sand.u32 s30, s9  }
0x4d: {  	v60 =	vld [tilespmem:s17+$0x0];
	[tilespmem:s18+$0x1860 ss:$0x41] =	vst.msk $0xffff, v2;
	s30 =	sand.u32 $0x7, s10;
	s20 =	sshrl.u32 s29, $0x7;
	s21 =	simm.s32 @!p1 $0xF41C0  }
0x4e: {  	v61 =	vld [tilespmem:s17+$0x10];
	[tilespmem:s18+$0x0 ss:$0x41] =	vst.msk $0xffff, v1;
	p1 =	sgt.s32 s10, $0x40;
	s24 =	ssub.s32 s21, s22;
	s21 =	smov.u32 s10  }
0x4f: {  	v62 =	vld [tilespmem:s17+$0x20];
	[tilespmem:s19+$0x1C70 ss:$0x41] =	vst.msk $0xffff, v0;
	s31 =	smulhi.u32 $0x218DEF5, s20;
	s22 =	sand.u32 s25, s10;
	s21 =	simm.s32 @!p1 $0x40  }
0x50: {  	v63 =	vld [tilespmem:s17+$0xFFFFFFC0];
	[tilespmem:s19+$0x410 ss:$0x41] =	vst.msk $0xffff, v5;
	s26 =	sadd.s32 $0xFFF0BE40, s24;
	s17 =	ssub.s32 $0xF4240, s24;
	s21 =	ssub.s32 s21, s22  }
0x51: {  	[tilespmem:s19+$0x820 ss:$0x41] =	vst.msk $0xffff, v58;
	s23 =	sshrl.u32 s31, $0xD;
	p1 =	sgt.s32 s26, $0x7F;
	s27 =	sadd.s32 $0xFFFFFFC0, s21  }
0x52: {  	[tilespmem:s19+$0xC30 ss:$0x41] =	vst.msk $0xffff, v59;
	s23 =	smul.u32 $0xF4240, s23;
	s18 =	ssub.s32 $0x80, s21;
	p2 =	sgt.s32 s27, $0x3F  }
.Ltmp4:
0x53: {  	[tilespmem:s19+$0x1040 ss:$0x41] =	vst.msk $0xffff, v60;
	s17 =	simm.s32 @p1 $0x0;
	s18 =	simm.s32 @p2 $0x0;
	(pc) =	sbr.rel .LBB1_5-.Ltmp4, $4  }
0x54: {  	s29 =	sand.u32 $0xF, s28;
	[tilespmem:s19+$0x1450 ss:$0x41] =	vst.msk $0xffff, v61;
	s20 =	ssub.s32 s20, s23;
	s17 =	smul.u32 s18, s17  }
0x55: {  	[tilespmem:s19+$0x1860 ss:$0x41] =	vst.msk $0xffff, v62;
	s21 =	sshll.u32 s30, $0x12;
	s20 =	sshll.u32 s20, $0x4;
	s18 =	sadd.s32 s5, s29  }
0x56: {  	[tilespmem:s19+$0x0 ss:$0x41] =	vst.msk $0xffff, v63;
	s31 =	sor.u32 $0x40, s21;
	s18 =	sadd.s32 s20, s18;
	s17 =	sand.u32 $0x3FFFFFFF, s17  }
0x57: {  	[hbm4b:s18+s31] =	stream.strided.scatter [tilespmem:s16], [sflag:$0x2], s17, s8, s31, $0x18;
	[tilespmem:$0x8100] =	vst v63  }
.LBB1_6:
0x58: {  	_ =	sfence.sel $0x180000  }
0x59: {  	s2 =	simm.s32 $0x1;
	[bflag:$0x0] =	sbarrier.arrive $0xFFFF  }
0x5a: {  	s31 =	simm.s32 $0x2;
	[sflag:s2] =	ssyncpa.u1 $0x1  }
0x5b: {  	[sflag:s31] =	ssyncpa.u1 $0x1  }
0x5c: {  	p0 =	sne.s32 s1, $0x0;
	_ =	strace $0x90000047  }
0x5d: {  	s0 =	sadd.s32 @!p0 $0x100000, s0;
	[bflag:$0x2] =	sbarrier.arrive $0xFFFF  }
0x5e: {  	[sflag:s0] =	ssyncadd.tile.s32 @!p0 $0x1;
	_ =	shalt  }
.Lfunc_end1:
_tile_overlayer_lowered:
.L_overlay_start_2:
0x5f: {  	(tag) =	ssettag $0x2  }
0x60: {  	s0 =	rddreg [dreg:$0x0];
	s2 =	stileid.u32  }
0x61: {  	s1 =	rddreg [dreg:$0x1];
	p0 =	sne.s32 s2, $0x0  }
0x62: {  	s3 =	rddreg [dreg:$0x2];
	[bflag:$0x3] =	sbarrier.arrive $0xFFFF;
	s2 =	simm.s32 @!p0 $0x1C01  }
0x63: {  	[timem:s3], [sflag:s2] =	dma.local @!p0 [hbm:s0], s1  }
0x64: {  	s0 =	simm.s32 @!p0 $0x1  }
0x65: {  	_ =	swait.ge @!p0 [sflag:s0], s1  }
0x66: {  	s1 =	ssub.s32 @!p0 $0x0, s1;
	[sflag:s0] =	ssyncset.done @!p0 $0x0  }
0x67: {  	[sflag:s0] =	ssyncadd.s32 @!p0 s1  }
0x68: {  	[bflag:$0x3] =	sbarrier.arrive $0xFFFF  }
0x69: {  	_ =	shalt  }

// kernel: sparse-core-data-format-call.cloned.1.call-start
scs
called_computation_lowered:
.L_overlay_start_0:
0x0: {  	s2 =	sld [smem:$0x3FD9]  }
0x1: {  	s3 =	sld [smem:$0x3FFE];
	_ =	sdelay $0x1  }
0x2: {  	s1 =	srdreg.scid  }
0x3: {  	s0 =	sand.u32 $0x1, s1  }
0x4: {  	s18 =	sshll.u32 s0, $0xA;
	s2 =	sadd.s32 s3, s2  }
0x5: {  	s2 =	sadd.s32 s2, s18  }
0x6: {  	[smem:$0x3FC6] =	sst s2  }
0x7: {  	_ = 	snop  }
0x8: {  	s2 =	sld [smem:$0x3FD0];
	(tm) =	ssettm $0x1  }
0x9: {  	s19 =	sld [smem:$0x3FFB];
	_ =	sdelay $0x3  }
0xa: {  	_ =	strace s19  }
0xb: {  	s3 =	sld [smem:$0x3FFC];
	_ =	sdelay $0x3  }
0xc: {  	_ =	strace s3  }
0xd: {  	s3 =	sld [smem:$0x3FFD];
	_ =	sdelay $0x3  }
0xe: {  	_ =	strace s3  }
0xf: {  	_ =	strace $0x8FFFFFFF  }
0x10: {  	s20 =	sld [smem:$0x3FDB];
	_ =	sdelay $0x1  }
0x11: {  	s4 =	simm.s32 $_scs_section_size  }
0x12: {  	s5 =	simm.s32 $_size__tile_overlayer_lowered;
	s6 =	simm.s32 $_tile_overlayer_lowered  }
0x13: {  	s23 =	simm.s32 $0x1BFF;
	s22 =	sshll.u32 s6, $0x1;
	s3 =	sadd.s32 s4, s20  }
0x14: {  	s7 =	simm.s32 $0x0;
	s21 =	sshll.u32 s5, $0x1;
	s5 =	sadd.s32 s22, s3  }
0x15: {  	[timem:s7], [sflag:s23] =	dma.local [hbm:s5], s21  }
0x16: {  	_ =	swait.ge [sflag:s23], s21  }
0x17: {  	s4 =	ssub.s32 $0x0, s21;
	[sflag:s23] =	ssyncset.done $0x0  }
0x18: {  	[sflag:s23] =	ssyncadd.s32 s4;
	_ =	sdelay $0x1  }
0x19: {  	s24 =	simm.s32 $0x1B8B  }
0x1a: {  	_ =	swait.ge [sflag:s24], $0x1  }
0x1b: {  	[sflag:s24] =	ssyncset.done $0x0  }
0x1c: {  	s26 =	simm.s32 $0x1B8E;
	s25 =	sld [smem:$0x3FFE];
	[sflag:s24] =	ssyncadd.s32 $0xFFFFFFFF  }
0x1d: {  	s27 =	simm.s32 $execute0_lowered;
	[smem:$0x3FD2] =	sst s26  }
0x1e: {  	s5 =	sshll.u32 s27, $0x1;
	_ =	strace $0x8000004C;
	[dreg:$0x1] =	wrdreg $0xFFFFFFFF  }
0x1f: {  	s28 =	simm.s32 $_size_execute0_lowered;
	s3 =	sadd.s32 s3, s5;
	[dreg:$0x0] =	wrdreg $0x0  }
0x20: {  	s5 =	sshll.u32 s28, $0x1;
	[dreg:$0x2] =	wrdreg s3  }
0x21: {  	[dreg:$0x3] =	wrdreg s5  }
0x22: {  	[dreg:$0x4] =	wrdreg $0xC0  }
0x23: {  	_ =	task [dreg:s7], $0x5FFFF  }
0x24: {  	[dreg:$0x1] =	wrdreg $0xFFFFFFFF  }
0x25: {  	[dreg:$0x0] =	wrdreg $0x60  }
0x26: {  	[dreg:$0x2] =	wrdreg s25  }
0x27: {  	[dreg:$0x3] =	wrdreg s2  }
0x28: {  	[dreg:$0x4] =	wrdreg $0x9  }
0x29: {  	_ =	task.clear_ibuf [dreg:s7], $0x5FFFF;
	_ =	strace $0x9000004C  }
0x2a: {  	s29 =	simm.s32 $0x9;
	_ =	strace $0x8000004E  }
0x2b: {  	_ =	swait.ge [sflag:s29], $0x1  }
0x2c: {  	[sflag:s29] =	ssyncadd.s32 $0xFFFFFFFF  }
0x2d: {  	_ =	strace $0x9000004E  }
0x2e: {  	_ =	sfence  }
0x2f: {  	s30 =	sld [smem:$0x0];
	_ =	sdelay $0x2  }
0x30: {  	s31 =	sshll.u32 s1, $0xD;
	s1 =	sshrl.u32 s1, $0x2  }
0x31: {  	s3 =	sand.u32 $0x4000, s31;
	s1 =	sadd.s32 s1, s30  }
0x32: {  	s0 =	sor.u32 s3, s0;
	s1 =	sshll.u32 s1, $0x11  }
0x33: {  	s0 =	sor.u32 s1, s0  }
0x34: {  	s0 =	sadd.s32 $0x8F2B, s0  }
0x35: {  	[sflag:s0] =	ssyncadd.remote.s32 $0x1  }
0x36: {  	_ =	sfence.sel $0xFFFF  }
0x37: {  	[dreg:$0x0] =	wrdreg $0xFFFFFFFF;
	(pc) =	sbr.abs _section_cstart, $3  }
0x38: {  	[dreg:$0x1] =	wrdreg $0xFFFFFFFF  }
0x39: {  	_ =	task.clear_ibuf [dreg:s7], $0x2FFFF;
	_ =	strace $0x9FFFFFFF  }
0x3a: {  	(tm) =	ssettm $0x7FFFFFFF  }
0x3b: {  	_ =	shalt  }
tec
execute0_lowered:
.L_overlay_start_1:
0x0: {  	(tag) =	ssettag $0x1  }
0x1: {  	s0 =	srdreg.scid  }
0x2: {  	s1 =	sshll.u32 s0, $0x4  }
0x3: {  	s0 =	stileid.u32;
	s1 =	sand.u32 $0x10, s1  }
0x4: {  	s1 =	sor.u32 s0, s1  }
0x5: {  	s6 =	rddreg [dreg:$0x0];
	s4 =	simm.s32 $0x1;
	s2 =	sshll.u32 s1, $0x7  }
0x6: {  	s7 =	simm.s32 $0x2;
	s12 =	simm.s32 $0x0;
	s1 =	ssub.s32 $0x1000, s2  }
0x7: {  	s8 =	simm.s32 $0x8000;
	s13 =	simm.s32 $0x0;
	s3 =	sand.u32 $0xF80, s1  }
0x8: {  	s9 =	simm.s32 $0x0;
	s5 =	sshrl.u32 s1, $0xC;
	p0 =	sne.s32 s3, $0x0  }
.Ltmp0:
0x9: {  	s1 =	rddreg [dreg:$0x2];
	s4 =	simm.s32 @!p0 $0x0;
	(pc) =	sbr.rel .LBB1_1-.Ltmp0, $4  }
0xa: {  	s11 =	simm.s32 $0x0;
	s3 =	rddreg [dreg:$0x1];
	s5 =	sadd.s32 s4, s5  }
0xb: {  	_ =	strace $0x8000004D;
	s4 =	simm.s32 $0x1;
	s5 =	smul.u32 $0xC8, s5  }
0xc: {  	s6 =	sadd.s32 $0xE00, s6;
	s10 =	smov.u32 s2;
	[sflag:s4] =	ssyncpa.u1 $0x0  }
0xd: {  	p0 =	por $0x0, $0x0;
	[sflag:s7] =	ssyncpa.u1 $0x0;
	s7 =	sor.u32 $0x1, s5  }
.LBB1_4:
0xe: {  	s16 =	sshll.u32 s13, $0x3;
	s17 =	sand.u32 $0x78, s13  }
0xf: {  	s30 =	sand.u32 $0x7E00, s13;
	s12 =	sshll.u32 s12, $0xF;
	s16 =	sand.u32 $0xC00, s16  }
0x10: {  	[tilespmem:s15+$0x810 ss:$0x81] =	vst.msk $0xffff, v2;
	s31 =	sand.u32 $0x7, s13;
	s16 =	sor.u32 s17, s16;
	s17 =	sadd.s32 s3, s30  }
0x11: {  	[tilespmem:s15+$0x1020 ss:$0x81] =	vst.msk $0xffff, v0;
	s13 =	sshll.u32 s31, $0x12;
	s12 =	sadd.s32 s12, s17;
	s16 =	sshrl.u32 s16, $0x3  }
0x12: {  	[tilespmem:s15+$0x0 ss:$0x81] =	vst.msk $0xffff, v1;
	s13 =	sor.u32 $0x400, s13;
	s12 =	sadd.s32 s16, s12  }
0x13: {  	[hbm4b:s12+s13] =	stream.strided.scatter [tilespmem:s14], [sflag:$0x2], $0x2000, s8, s13, $0x20;
	[tilespmem:$0x8080] =	vst v63  }
.LBB1_5:
0x14: {  	s14 =	sadd.s32 $0x1, s9  }
0x15: {  	s12 =	sadd.s32 $0x1000, s10;
	s16 =	smov.u32 s10;
	p2 =	sgt.s32 s14, $0xC7  }
0x16: {  	s16 =	smov.u32 @p2 s12  }
0x17: {  	s14 =	simm.s32 @p2 $0x0;
	p2 =	sgt.s32 s16, $0xFFF  }
0x18: {  	s16 =	smov.u32 @p2 s2;
	p2 =	sne.s32 s11, s7  }
.Ltmp1:
0x19: {  	p1 =	slt.u32 s11, $0x2;
	(pc) =	sbr.rel @!p2 .LBB1_6-.Ltmp1, $4  }
0x1a: {  	s15 =	simm.s32 @!p1 $0x2  }
0x1b: {  	s13 =	smov.u32 s10;
	p0 =	por !p0, !p0;
	_ =	swait.ge @!p1 [sflag:s15], $0x2000  }
0x1c: {  	s12 =	smov.u32 s9;
	[sflag:s15] =	ssyncset.done @!p1 $0x0;
	s9 =	smov.u32 s14  }
0x1d: {  	s11 =	sadd.s32 $0x1, s11;
	[sflag:s15] =	ssyncadd.s32 @!p1 $0xFFFFE000;
	s10 =	smov.u32 s16  }
.LBB1_1:
0x1e: {  	p1 =	sge.u32 s11, s5  }
0x1f: {  	s14 =	sand.u32 @!p1 $0x1FFFFFF, s9  }
0x20: {  	s15 =	smulhi.u32 @!p1 $0x147AE15, s14;
	_ =	sdelay $0x1  }
0x21: {  	s15 =	smul.u32 @!p1 $0xC8, s15  }
0x22: {  	s16 =	sxor.u32 @!p1 $0xFFFFFFFF, s11;
	s17 =	smul.u32 @!p1 $0xC80, s10  }
0x23: {  	s31 =	sadd.s32 $0xFFFFFFFF, s11;
	s16 =	sshll.u32 @!p1 s16, $0xD;
	s14 =	ssub.s32 @!p1 s14, s15  }
0x24: {  	s15 =	sand.u32 @!p1 $0x2000, s16;
	s16 =	sadd.s32 @!p1 s6, s17;
	s14 =	sshll.u32 @!p1 s14, $0x4  }
0x25: {  	s17 =	simm.s32 @!p1 $0x6400;
	s14 =	sadd.s32 @!p1 s14, s16;
	s16 =	simm.s32 @!p1 $0x40  }
0x26: {  	[tilespmem:s15], [sflag:$0x1] =	stream.strided.gather @!p1 [hbm4b:s14+s16], $0x2000, s17, s16, $0x38;
	[tilespmem:$0x8080] =	vst v63  }
0x27: {  	p1 =	sge.u32 s31, s5  }
.Ltmp2:
0x28: {  	_ = 	snop;
	(pc) =	sbr.rel @p1 .LBB1_5-.Ltmp2, $1  }
0x29: {  	_ =	sdelay $0x3  }
0x2a: {  	s14 =	simm.s32 $0x1  }
0x2b: {  	_ =	swait.ge [sflag:s4], $0x2000;
	s14 =	simm.s32 @!p0 $0x0  }
0x2c: {  	[sflag:s4] =	ssyncset.done $0x0;
	s15 =	sshll.u32 s14, $0xD  }
0x2d: {  	[sflag:s4] =	ssyncadd.s32 $0xFFFFE000;
	s18 =	sor.u32 $0x20, s15  }
0x2e: {  	s14 =	smul.u32 $0x8100, s14;
	v3 =	vld [tilespmem:s18+$0x10]  }
0x2f: {  	s30 =	sand.u32 $0x1, s11;
	v2 =	vld [tilespmem:s18+$0xFFFFFFF0]  }
0x30: {  	s15 =	smul.u32 $0x8100, s30;
	s14 =	sshrl.u32 s14, $0x2;
	v0 =	vld [tilespmem:s18+$0x0]  }
0x31: {  	v1 =	vld [tilespmem:s18+$0xFFFFFFE0];
	s16 =	sor.u32 $0x4000, s14  }
0x32: {  	s31 =	sshrl.u32 s15, $0x2;
	s15 =	sadd.s32 $0x0, s16  }
0x33: {  	s17 =	simm.s32 $0x4;
	s18 =	sadd.s32 $0x40, s18;
	s14 =	sor.u32 $0x4000, s31;
	[tilespmem:s15+$0x1830 ss:$0x81] =	vst.msk $0xffff, v3  }
.LBB1_3:
0x34: {  	v3 =	vld [tilespmem:s18+$0x10];
	p1 =	sne.s32 s17, $0x1FC;
	[tilespmem:s15+$0x810 ss:$0x81] =	vst.msk $0xffff, v2;
	s19 =	smov.u32 s17;
	s17 =	sadd.s32 $0x4, s17  }
.Ltmp3:
0x35: {  	v2 =	vld [tilespmem:s18+$0xFFFFFFF0];
	[tilespmem:s15+$0x1020 ss:$0x81] =	vst.msk $0xffff, v0;
	(pc) =	sbr.rel @p1 .LBB1_3-.Ltmp3, $4  }
0x36: {  	v0 =	vld [tilespmem:s18+$0x0];
	[tilespmem:s15+$0x0 ss:$0x81] =	vst.msk $0xffff, v1  }
0x37: {  	s15 =	sshra.s32 s19, $0x2;
	v1 =	vld [tilespmem:s18+$0xFFFFFFE0]  }
0x38: {  	s15 =	sadd.s32 s15, s16  }
0x39: {  	s18 =	sadd.s32 $0x40, s18;
	[tilespmem:s15+$0x1830 ss:$0x81] =	vst.msk $0xffff, v3  }
.Ltmp4:
0x3a: {  	_ = 	snop;
	(pc) =	sbr.rel .LBB1_4-.Ltmp4, $1  }
0x3b: {  	_ =	sdelay $0x3  }
.LBB1_6:
0x3c: {  	_ =	sfence.sel $0x180000  }
0x3d: {  	s2 =	simm.s32 $0x1;
	[bflag:$0x0] =	sbarrier.arrive $0xFFFF  }
0x3e: {  	s31 =	simm.s32 $0x2;
	[sflag:s2] =	ssyncpa.u1 $0x1  }
0x3f: {  	[sflag:s31] =	ssyncpa.u1 $0x1  }
0x40: {  	p0 =	sne.s32 s0, $0x0;
	_ =	strace $0x9000004D  }
0x41: {  	s0 =	sadd.s32 @!p0 $0x100000, s1;
	[bflag:$0x2] =	sbarrier.arrive $0xFFFF  }
0x42: {  	[sflag:s0] =	ssyncadd.tile.s32 @!p0 $0x1;
	_ =	shalt  }
.Lfunc_end1:
_tile_overlayer_lowered:
.L_overlay_start_2:
0x43: {  	(tag) =	ssettag $0x2  }
0x44: {  	s0 =	rddreg [dreg:$0x0];
	s2 =	stileid.u32  }
0x45: {  	s1 =	rddreg [dreg:$0x1];
	p0 =	sne.s32 s2, $0x0  }
0x46: {  	s3 =	rddreg [dreg:$0x2];
	[bflag:$0x3] =	sbarrier.arrive $0xFFFF;
	s2 =	simm.s32 @!p0 $0x1C01  }
0x47: {  	[timem:s3], [sflag:s2] =	dma.local @!p0 [hbm:s0], s1  }
0x48: {  	s0 =	simm.s32 @!p0 $0x1  }
0x49: {  	_ =	swait.ge @!p0 [sflag:s0], s1  }
0x4a: {  	s1 =	ssub.s32 @!p0 $0x0, s1;
	[sflag:s0] =	ssyncset.done @!p0 $0x0  }
0x4b: {  	[sflag:s0] =	ssyncadd.s32 @!p0 s1  }
0x4c: {  	[bflag:$0x3] =	sbarrier.arrive $0xFFFF  }
0x4d: {  	_ =	shalt  }

</sc_bundles>
